<compile_context>
chip_gen: v7x
topology: tpu7x:2x2x1
jax: 0.10.2.dev20260603
libtpu: 0.0.44.dev20260713+nightly
codegen_flags: <defaults>
</compile_context>

<pallas_src>
import functools

import jax
import jax.numpy as jnp
from jax import lax
from jax.experimental import pallas as pl
from jax.experimental.pallas import tpu as pltpu
from jax.experimental.pallas import tpu_sc as plsc

N = 10000
E = 320000
C = 128
NC = 2
NS = 16
NW = NC * NS
CHUNK = 128
NCHUNK = 80
SUP = 8
NSUP = NCHUNK // SUP
EPW = NCHUNK * CHUNK
EP = NW * EPW
NPAD = 10240
RPS = NPAD // NS
TRASH = NPAD - N

_mesh = plsc.VectorSubcoreMesh(
    core_axis_name="c", subcore_axis_name="s", num_cores=NC, num_subcores=NS)


def _worker(c, s):
    return c * NS + s


@functools.partial(
    pl.kernel,
    out_type=jax.ShapeDtypeStruct((NC * NPAD,), jnp.float32),
    mesh=_mesh,
    scratch_types=[
        pltpu.VMEM((NCHUNK, CHUNK), jnp.int32),
        pltpu.VMEM((CHUNK,), jnp.float32),
        pltpu.VMEM_SHARED((NPAD,), jnp.float32),
        pltpu.SemaphoreType.DMA,
    ],
)
def _deg_kernel(dst_hbm, ones_hbm, zeros_hbm, out_hbm, idx_v, ones_v,
                deg_shared, ssem):
    c = lax.axis_index("c")
    s = lax.axis_index("s")
    w = _worker(c, s)
    pltpu.sync_copy(zeros_hbm, deg_shared.at[pl.ds(s * RPS, RPS)])
    pltpu.sync_copy(dst_hbm.at[w], idx_v)
    pltpu.sync_copy(ones_hbm, ones_v)
    plsc.subcore_barrier()

    def outer(g, carry):
        def fire(j, c2):
            pltpu.async_copy(ones_v, deg_shared.at[idx_v.at[g * 16 + j]],
                             ssem, add=True)
            return c2
        lax.fori_loop(0, 16, fire, 0)

        def drain(j, c2):
            pltpu.make_async_copy(ones_v, deg_shared.at[idx_v.at[0]],
                                  ssem).wait()
            return c2
        lax.fori_loop(0, 16, drain, 0)
        return carry
    lax.fori_loop(0, NCHUNK // 16, outer, 0)
    plsc.subcore_barrier()
    pltpu.sync_copy(deg_shared.at[pl.ds(s * RPS, RPS)],
                    out_hbm.at[pl.ds(c * NPAD + s * RPS, RPS)])


def _make_agg_kernel(width):
    @functools.partial(
        pl.kernel,
        out_type=jax.ShapeDtypeStruct((NC * NPAD, width), jnp.float32),
        mesh=_mesh,
        scratch_types=[
            pltpu.VMEM((SUP, CHUNK), jnp.int32),
            pltpu.VMEM((SUP, CHUNK), jnp.int32),
            pltpu.VMEM((2, CHUNK, width), jnp.float32),
            pltpu.VMEM_SHARED((NPAD, width), jnp.float32),
            pltpu.SemaphoreType.DMA,
            pltpu.SemaphoreType.DMA,
        ],
    )
    def agg(y_hbm, zrow_hbm, src_hbm, dst_hbm, out_hbm, src_v, dst_v,
            rows_v, acc_shared, gsem, ssem):
        c = lax.axis_index("c")
        s = lax.axis_index("s")
        w = _worker(c, s)
        @pl.when(c == 0)
        def _init_y():
            pltpu.sync_copy(y_hbm.at[pl.ds(s * RPS, RPS)],
                            acc_shared.at[pl.ds(s * RPS, RPS)])
        @pl.when(c != 0)
        def _init_z():
            pltpu.sync_copy(zrow_hbm, acc_shared.at[pl.ds(s * RPS, RPS)])
        plsc.subcore_barrier()

        def outer(g, carry):
            pltpu.sync_copy(src_hbm.at[w * NSUP + g], src_v)
            pltpu.sync_copy(dst_hbm.at[w * NSUP + g], dst_v)
            pltpu.async_copy(y_hbm.at[src_v.at[0]], rows_v.at[0], gsem)

            def body(j, carry2):
                nxt = j + 1
                @pl.when(nxt < SUP)
                def _start():
                    @pl.when(j >= 1)
                    def _free():
                        pltpu.make_async_copy(
                            rows_v.at[lax.rem(nxt, 2)],
                            acc_shared.at[dst_v.at[0]], ssem).wait()
                    pltpu.async_copy(y_hbm.at[src_v.at[nxt]],
                                     rows_v.at[lax.rem(nxt, 2)], gsem)
                pltpu.make_async_copy(y_hbm.at[src_v.at[j]],
                                      rows_v.at[lax.rem(j, 2)], gsem).wait()
                pltpu.async_copy(rows_v.at[lax.rem(j, 2)],
                                 acc_shared.at[dst_v.at[j]], ssem, add=True)
                return carry2
            lax.fori_loop(0, SUP, body, 0)
            pltpu.make_async_copy(rows_v.at[0],
                                  acc_shared.at[dst_v.at[0]], ssem).wait()
            pltpu.make_async_copy(rows_v.at[1],
                                  acc_shared.at[dst_v.at[0]], ssem).wait()
            return carry
        lax.fori_loop(0, NSUP, outer, 0)
        plsc.subcore_barrier()
        pltpu.sync_copy(acc_shared.at[pl.ds(s * RPS, RPS)],
                        out_hbm.at[pl.ds(c * NPAD + s * RPS, RPS)])
    return agg


_agg128 = _make_agg_kernel(C)


@functools.partial(
    pl.kernel,
    out_type=jax.ShapeDtypeStruct((NC * 2 * NPAD,), jnp.float32),
    mesh=_mesh,
    scratch_types=[
        pltpu.VMEM((SUP, CHUNK), jnp.int32),
        pltpu.VMEM((SUP, CHUNK), jnp.int32),
        pltpu.VMEM((NPAD,), jnp.float32),
        pltpu.VMEM((NPAD,), jnp.float32),
        pltpu.VMEM((2, CHUNK), jnp.float32),
        pltpu.VMEM((2, CHUNK), jnp.float32),
        pltpu.VMEM_SHARED((NPAD,), jnp.float32),
        pltpu.VMEM_SHARED((NPAD,), jnp.float32),
        pltpu.SemaphoreType.DMA,
    ],
    compiler_params=pltpu.CompilerParams(needs_layout_passes=False),
)
def _agg2(yt_hbm, src_hbm, dst_hbm, out_hbm, src_v, dst_v,
          ytab0_v, ytab1_v, upd0_v, upd1_v, acc0_sh, acc1_sh, ssem):
    c = lax.axis_index("c")
    s = lax.axis_index("s")
    w = _worker(c, s)
    pltpu.sync_copy(yt_hbm.at[0].at[pl.ds(s * RPS, RPS)],
                    acc0_sh.at[pl.ds(s * RPS, RPS)])
    pltpu.sync_copy(yt_hbm.at[1].at[pl.ds(s * RPS, RPS)],
                    acc1_sh.at[pl.ds(s * RPS, RPS)])
    pltpu.sync_copy(yt_hbm.at[0], ytab0_v)
    pltpu.sync_copy(yt_hbm.at[1], ytab1_v)
    plsc.subcore_barrier()

    def outer(g, carry):
        pltpu.sync_copy(src_hbm.at[w * NSUP + g], src_v)
        pltpu.sync_copy(dst_hbm.at[w * NSUP + g], dst_v)

        def body(j, carry2):
            b = lax.rem(j, 2)
            @pl.when(j >= 2)
            def _free():
                pltpu.make_async_copy(upd0_v.at[0],
                                      acc0_sh.at[dst_v.at[0]], ssem).wait()
                pltpu.make_async_copy(upd1_v.at[0],
                                      acc1_sh.at[dst_v.at[0]], ssem).wait()
            lane = jnp.arange(16, dtype=jnp.int32)
            bvec = lane * 0 + b
            for k in range(8):
                src16 = plsc.load_gather(src_v, [bvec * 0 + j,
                                                 k * 16 + lane])
                v0 = plsc.load_gather(ytab0_v, [src16])
                v1 = plsc.load_gather(ytab1_v, [src16])
                row = k * 16 + lane
                plsc.store_scatter(upd0_v, [bvec, row], v0)
                plsc.store_scatter(upd1_v, [bvec, row], v1)
            pltpu.async_copy(upd0_v.at[b], acc0_sh.at[dst_v.at[j]], ssem,
                             add=True)
            pltpu.async_copy(upd1_v.at[b], acc1_sh.at[dst_v.at[j]], ssem,
                             add=True)
            return carry2
        lax.fori_loop(0, SUP, body, 0)
        pltpu.make_async_copy(upd0_v.at[0], acc0_sh.at[dst_v.at[0]],
                              ssem).wait()
        pltpu.make_async_copy(upd1_v.at[0], acc1_sh.at[dst_v.at[0]],
                              ssem).wait()
        pltpu.make_async_copy(upd0_v.at[1], acc0_sh.at[dst_v.at[0]],
                              ssem).wait()
        pltpu.make_async_copy(upd1_v.at[1], acc1_sh.at[dst_v.at[0]],
                              ssem).wait()
        return carry
    lax.fori_loop(0, NSUP, outer, 0)
    plsc.subcore_barrier()
    pltpu.sync_copy(acc0_sh.at[pl.ds(s * RPS, RPS)],
                    out_hbm.at[pl.ds(c * 2 * NPAD + s * RPS, RPS)])
    pltpu.sync_copy(acc1_sh.at[pl.ds(s * RPS, RPS)],
                    out_hbm.at[pl.ds(c * 2 * NPAD + NPAD + s * RPS, RPS)])


_BLK = 1024
_GRID = NPAD // _BLK


def _tc1_body(x_ref, w1_ref, degp_ref, y1_ref, dinv_ref):
    deg = degp_ref[0, :] + degp_ref[1, :] + 1.0
    dinv = 1.0 / jnp.sqrt(deg)
    h = jnp.dot(x_ref[...], w1_ref[...], preferred_element_type=jnp.float32)
    y1_ref[...] = h * dinv[:, None]
    dinv_ref[...] = dinv


def _tc1(x, w1, degp):
    return pl.pallas_call(
        _tc1_body,
        grid=(_GRID,),
        in_specs=[
            pl.BlockSpec((_BLK, C), lambda i: (i, 0)),
            pl.BlockSpec((C, C), lambda i: (0, 0)),
            pl.BlockSpec((NC, _BLK), lambda i: (0, i)),
        ],
        out_specs=[
            pl.BlockSpec((_BLK, C), lambda i: (i, 0)),
            pl.BlockSpec((_BLK,), lambda i: (i,)),
        ],
        out_shape=[
            jax.ShapeDtypeStruct((NPAD, C), jnp.float32),
            jax.ShapeDtypeStruct((NPAD,), jnp.float32),
        ],
    )(x, w1, degp)


def _tc2_body(accp_ref, dinv_ref, b1_ref, w2_ref, y2t_ref):
    agg = accp_ref[0] + accp_ref[1]
    dinv = dinv_ref[...]
    out1 = jax.nn.relu(agg * dinv[:, None] + b1_ref[...][None, :])
    y2t_ref[...] = lax.dot_general(
        w2_ref[...], out1, (((0,), (1,)), ((), ())),
        preferred_element_type=jnp.float32) * dinv[None, :]


def _tc2(accp, dinv, b1, w2):
    return pl.pallas_call(
        _tc2_body,
        grid=(_GRID,),
        in_specs=[
            pl.BlockSpec((NC, _BLK, C), lambda i: (0, i, 0)),
            pl.BlockSpec((_BLK,), lambda i: (i,)),
            pl.BlockSpec((C,), lambda i: (0,)),
            pl.BlockSpec((C, 2), lambda i: (0, 0)),
        ],
        out_specs=pl.BlockSpec((2, _BLK), lambda i: (0, i)),
        out_shape=jax.ShapeDtypeStruct((2, NPAD), jnp.float32),
    )(accp, dinv, b1, w2)


def _tc3_body(acc2p_ref, y2_ref, dinv_ref, b2_ref, linw_ref, linb_ref,
              a1w_ref, a1b_ref, a2w_ref, a2b_ref, c1w_ref, c1b_ref,
              c2w_ref, c2b_ref, am_ref, sv_ref):
    agg = (acc2p_ref[0] + acc2p_ref[1] - y2_ref[...]).T
    dinv = dinv_ref[...]
    out2 = jax.nn.relu(agg * dinv[:, None] + b2_ref[...][None, :])
    feats = jnp.dot(out2, linw_ref[...],
                    preferred_element_type=jnp.float32) + linb_ref[...][None, :]
    a = jax.nn.relu(jnp.dot(feats, a1w_ref[...],
                            preferred_element_type=jnp.float32)
                    + a1b_ref[...][None, :])
    logits = jnp.dot(a, a2w_ref[...],
                     preferred_element_type=jnp.float32) + a2b_ref[...][None, :]
    m = jnp.max(logits, axis=-1, keepdims=True)
    ex = jnp.exp(logits - m)
    am_ref[...] = ex / jnp.sum(ex, axis=-1, keepdims=True)
    cv = jax.nn.relu(jnp.dot(feats, c1w_ref[...],
                             preferred_element_type=jnp.float32)
                     + c1b_ref[...][None, :])
    sv_ref[...] = jnp.dot(cv, c2w_ref[...],
                          preferred_element_type=jnp.float32) + c2b_ref[...][None, :]


def _tc3(acc2p, y2, dinv, b2, lin_w, lin_b, a1w, a1b, a2w, a2b, c1w, c1b,
         c2w, c2b):
    return pl.pallas_call(
        _tc3_body,
        grid=(_GRID,),
        in_specs=[
            pl.BlockSpec((NC, 2, _BLK), lambda i: (0, 0, i)),
            pl.BlockSpec((2, _BLK), lambda i: (0, i)),
            pl.BlockSpec((_BLK,), lambda i: (i,)),
            pl.BlockSpec((2,), lambda i: (0,)),
            pl.BlockSpec((2, 2), lambda i: (0, 0)),
            pl.BlockSpec((2,), lambda i: (0,)),
            pl.BlockSpec((2, C), lambda i: (0, 0)),
            pl.BlockSpec((C,), lambda i: (0,)),
            pl.BlockSpec((C, 10), lambda i: (0, 0)),
            pl.BlockSpec((10,), lambda i: (0,)),
            pl.BlockSpec((2, C), lambda i: (0, 0)),
            pl.BlockSpec((C,), lambda i: (0,)),
            pl.BlockSpec((C, 1), lambda i: (0, 0)),
            pl.BlockSpec((1,), lambda i: (0,)),
        ],
        out_specs=[
            pl.BlockSpec((_BLK, 10), lambda i: (i, 0)),
            pl.BlockSpec((_BLK, 1), lambda i: (i, 0)),
        ],
        out_shape=[
            jax.ShapeDtypeStruct((N, 10), jnp.float32),
            jax.ShapeDtypeStruct((N, 1), jnp.float32),
        ],
    )(acc2p, y2, dinv, b2, lin_w, lin_b, a1w, a1b, a2w, a2b, c1w, c1b,
      c2w, c2b)


def kernel(obs, edge_index, gcn_W1, gcn_b1, gcn_W2, gcn_b2, lin_W, lin_b,
           a1_W, a1_b, a2_W, a2_b, c1_W, c1_b, c2_W, c2_b):
    x = jnp.pad(obs[0], ((0, NPAD - N), (0, 0)))
    src = edge_index[0].astype(jnp.int32)
    dst = edge_index[1].astype(jnp.int32)
    npad_e = EP - E
    pad_i = jnp.arange(npad_e, dtype=jnp.int32)
    src_w = jnp.concatenate([src, (pad_i * 37) % N]).reshape(
        NW * NSUP, SUP, CHUNK)
    dst_w = jnp.concatenate([dst, N + pad_i % TRASH]).reshape(
        NW * NSUP, SUP, CHUNK)
    ones = jnp.ones((CHUNK,), jnp.float32)
    zeros = jnp.zeros((RPS,), jnp.float32)
    zrow = jnp.zeros((RPS, C), jnp.float32)

    degp = _deg_kernel(dst_w.reshape(NW, NCHUNK, CHUNK), ones,
                       zeros).reshape(NC, NPAD)
    y1, dinv = _tc1(x, gcn_W1, degp)
    accp = _agg128(y1, zrow, src_w, dst_w).reshape(NC, NPAD, C)
    y2t = _tc2(accp, dinv, gcn_b1, gcn_W2)
    acc2p = _agg2(y2t, src_w, dst_w).reshape(NC, 2, NPAD)
    am, sv = _tc3(acc2p, y2t, dinv, gcn_b2, lin_W, lin_b, a1_W, a1_b,
                  a2_W, a2_b, c1_W, c1_b, c2_W, c2_b)
    return am, sv[:, 0]

# --- scband reference (transcript-rebuilt; emitter-appended) ---
"""Pipeline reference for scband-gnnpolicy-65197603553733 (READ-ONLY COPY).

The authoritative reference and input builder live on the scoring server;
editing this copy changes nothing except your own understanding.
"""

import jax, jax.numpy as jnp
import numpy as np

N_NODES = 10000
N_EDGES = 320000
IN_CH = 128
HID = 128
OUT_GNN = 2
FC = 128
ACT = 10


def setup_inputs(seed: int = 0) -> dict:
    key = jax.random.key(seed)
    ks = jax.random.split(key, 20)
    obs = jax.random.normal(ks[0], (1, N_NODES, IN_CH), dtype=jnp.float32)
    edge_index = jax.random.randint(ks[1], (2, N_EDGES), 0, N_NODES, dtype=jnp.int64)
    def lin_w(k, fan_in, fan_out):
        bound = 1.0 / np.sqrt(fan_in)
        return jax.random.uniform(k, (fan_in, fan_out), jnp.float32, -bound, bound)
    def lin_b(k, fan_in, fan_out):
        bound = 1.0 / np.sqrt(fan_in)
        return jax.random.uniform(k, (fan_out,), jnp.float32, -bound, bound)
    return {
        "obs": obs,
        "edge_index": edge_index,
        "gcn_W1": lin_w(ks[2], IN_CH, HID), "gcn_b1": lin_b(ks[3], IN_CH, HID),
        "gcn_W2": lin_w(ks[4], HID, OUT_GNN), "gcn_b2": lin_b(ks[5], HID, OUT_GNN),
        "lin_W": lin_w(ks[6], OUT_GNN, 2), "lin_b": lin_b(ks[7], OUT_GNN, 2),
        "a1_W": lin_w(ks[8], 2, FC), "a1_b": lin_b(ks[9], 2, FC),
        "a2_W": lin_w(ks[10], FC, ACT), "a2_b": lin_b(ks[11], FC, ACT),
        "c1_W": lin_w(ks[12], 2, FC), "c1_b": lin_b(ks[13], 2, FC),
        "c2_W": lin_w(ks[14], FC, 1), "c2_b": lin_b(ks[15], FC, 1),
    }


def _gcn_conv(x, src, dst, num_nodes, W, b):
    # GCNConv: add self-loops, symmetric normalization D^-1/2 (A+I) D^-1/2, then XW + b
    loop = jnp.arange(num_nodes, dtype=src.dtype)
    s = jnp.concatenate([src, loop])
    d = jnp.concatenate([dst, loop])
    deg = jnp.zeros((num_nodes,), dtype=x.dtype).at[d].add(1.0)
    dinv = jnp.where(deg > 0, 1.0 / jnp.sqrt(deg), 0.0)
    norm = dinv[s] * dinv[d]
    h = x @ W
    msg = h[s] * norm[:, None]
    out = jnp.zeros((num_nodes, h.shape[1]), dtype=h.dtype).at[d].add(msg)
    return out + b


def reference(obs, edge_index, gcn_W1, gcn_b1, gcn_W2, gcn_b2, lin_W, lin_b,
              a1_W, a1_b, a2_W, a2_b, c1_W, c1_b, c2_W, c2_b):
    num_nodes = obs.shape[1]
    x = obs[0, :num_nodes, :]
    src, dst = edge_index[0], edge_index[1]
    x = jax.nn.relu(_gcn_conv(x, src, dst, num_nodes, gcn_W1, gcn_b1))
    x = jax.nn.relu(_gcn_conv(x, src, dst, num_nodes, gcn_W2, gcn_b2))
    features = x @ lin_W + lin_b
    a = jax.nn.relu(features @ a1_W + a1_b)
    action_means = jax.nn.softmax(a @ a2_W + a2_b, axis=-1)
    c = jax.nn.relu(features @ c1_W + c1_b)
    state_values = (c @ c2_W + c2_b)[:, 0]
    return (action_means, state_values)

if __name__ == "__main__":
    import jax
    _d = setup_inputs()
    print(jax.jit(kernel)(*tuple(_d.values())))

</pallas_src>

<mosaic_0001>
#map = affine_map<(d0, d1) -> (0, 0)>
#map1 = affine_map<(d0, d1) -> (0, 0, 0)>
#map2 = affine_map<(d0, d1) -> (0)>
module attributes {stable_mosaic.version = 14 : i64} {
  func.func @_agg2(%arg0: i32, %arg1: i32, %arg2: memref<2x10240xf32, #tpu.memory_space<hbm>>, %arg3: memref<320x8x128xi32, #tpu.memory_space<hbm>>, %arg4: memref<320x8x128xi32, #tpu.memory_space<hbm>>, %arg5: memref<40960xf32, #tpu.memory_space<hbm>>, %arg6: memref<8x128xi32, #tpu.memory_space<vmem>>, %arg7: memref<8x128xi32, #tpu.memory_space<vmem>>, %arg8: memref<10240xf32, #tpu.memory_space<vmem>>, %arg9: memref<10240xf32, #tpu.memory_space<vmem>>, %arg10: memref<2x128xf32, #tpu.memory_space<vmem>>, %arg11: memref<2x128xf32, #tpu.memory_space<vmem>>, %arg12: memref<10240xf32, #tpu.memory_space<vmem_shared>>, %arg13: memref<10240xf32, #tpu.memory_space<vmem_shared>>, %arg14: memref<!tpu.dma_semaphore, #tpu.memory_space<semaphore_mem>>) attributes {dimension_semantics = [#tpu.dimension_semantics<core_parallel>, #tpu.dimension_semantics<subcore_parallel>], iteration_bounds = array<i64: 2, 16>, scalar_prefetch = 0 : i64, scratch_operands = 9 : i64, tpu.core_type = #tpu.core_type<sc_vector_subcore>, window_params = [{transform_indices = #map}, {transform_indices = #map1}, {transform_indices = #map1}, {transform_indices = #map2}]} {
    %mul3A = arith.constant 16 : i32
    %mul3A_0 = arith.muli %arg0, %mul3A : i32
    %add3A = arith.addi %mul3A_0, %arg1 : i32
    %mul3A_1 = arith.constant 640 : i32
    %mul3A_2 = arith.muli %arg1, %mul3A_1 : i32
    %mul3A_3 = arith.constant 640 : i32
    %mul3A_4 = arith.muli %arg1, %mul3A_3 : i32
    %run_scoped3A = arith.constant 0 : i32
    "tpu.region"() ({
      %run_scoped3A_38 = tpu.sem_alloc : memref<!tpu.dma_semaphore, #tpu.memory_space<semaphore_mem>>
      %dma_start3A = tpu.memref_slice %arg12[%mul3A_4] : memref<10240xf32, #tpu.memory_space<vmem_shared>> -> memref<640xf32, #tpu.memory_space<vmem_shared>>
      %dma_start3A_39 = arith.constant 0 : i32
      %dma_start3A_40 = tpu.memref_slice %arg2[%run_scoped3A, %dma_start3A_39] : memref<2x10240xf32, #tpu.memory_space<hbm>> -> memref<1x10240xf32, #tpu.memory_space<hbm>>
      %dma_start3A_41 = tpu.memref_squeeze %dma_start3A_40 : memref<1x10240xf32, #tpu.memory_space<hbm>> -> memref<10240xf32, #tpu.memory_space<hbm>>
      %dma_start3A_42 = tpu.memref_slice %dma_start3A_41[%mul3A_2] : memref<10240xf32, #tpu.memory_space<hbm>> -> memref<640xf32, #tpu.memory_space<hbm>>
      tpu.enqueue_dma source(%dma_start3A_42 : memref<640xf32, #tpu.memory_space<hbm>>) target(%dma_start3A : memref<640xf32, #tpu.memory_space<vmem_shared>>) target_semaphore(%run_scoped3A_38 : memref<!tpu.dma_semaphore, #tpu.memory_space<semaphore_mem>>)
      %dma_wait3A = tpu.memref_slice %arg12[%mul3A_4] : memref<10240xf32, #tpu.memory_space<vmem_shared>> -> memref<640xf32, #tpu.memory_space<vmem_shared>>
      %dma_wait3A_43 = arith.constant 0 : i32
      %dma_wait3A_44 = tpu.memref_slice %arg2[%run_scoped3A, %dma_wait3A_43] : memref<2x10240xf32, #tpu.memory_space<hbm>> -> memref<1x10240xf32, #tpu.memory_space<hbm>>
      %dma_wait3A_45 = tpu.memref_squeeze %dma_wait3A_44 : memref<1x10240xf32, #tpu.memory_space<hbm>> -> memref<10240xf32, #tpu.memory_space<hbm>>
      %dma_wait3A_46 = tpu.memref_slice %dma_wait3A_45[%mul3A_2] : memref<10240xf32, #tpu.memory_space<hbm>> -> memref<640xf32, #tpu.memory_space<hbm>>
      tpu.wait_dma2 semaphore(%run_scoped3A_38 : memref<!tpu.dma_semaphore, #tpu.memory_space<semaphore_mem>>) src(%dma_wait3A_46 : memref<640xf32, #tpu.memory_space<hbm>>) dst(%dma_wait3A : memref<640xf32, #tpu.memory_space<vmem_shared>>)
      tpu.yield
    }) : () -> ()
    %mul3A_5 = arith.constant 640 : i32
    %mul3A_6 = arith.muli %arg1, %mul3A_5 : i32
    %mul3A_7 = arith.constant 640 : i32
    %mul3A_8 = arith.muli %arg1, %mul3A_7 : i32
    %run_scoped3A_9 = arith.constant 1 : i32
    "tpu.region"() ({
      %run_scoped3A_38 = tpu.sem_alloc : memref<!tpu.dma_semaphore, #tpu.memory_space<semaphore_mem>>
      %dma_start3A = tpu.memref_slice %arg13[%mul3A_8] : memref<10240xf32, #tpu.memory_space<vmem_shared>> -> memref<640xf32, #tpu.memory_space<vmem_shared>>
      %dma_start3A_39 = arith.constant 0 : i32
      %dma_start3A_40 = tpu.memref_slice %arg2[%run_scoped3A_9, %dma_start3A_39] : memref<2x10240xf32, #tpu.memory_space<hbm>> -> memref<1x10240xf32, #tpu.memory_space<hbm>>
      %dma_start3A_41 = tpu.memref_squeeze %dma_start3A_40 : memref<1x10240xf32, #tpu.memory_space<hbm>> -> memref<10240xf32, #tpu.memory_space<hbm>>
      %dma_start3A_42 = tpu.memref_slice %dma_start3A_41[%mul3A_6] : memref<10240xf32, #tpu.memory_space<hbm>> -> memref<640xf32, #tpu.memory_space<hbm>>
      tpu.enqueue_dma source(%dma_start3A_42 : memref<640xf32, #tpu.memory_space<hbm>>) target(%dma_start3A : memref<640xf32, #tpu.memory_space<vmem_shared>>) target_semaphore(%run_scoped3A_38 : memref<!tpu.dma_semaphore, #tpu.memory_space<semaphore_mem>>)
      %dma_wait3A = tpu.memref_slice %arg13[%mul3A_8] : memref<10240xf32, #tpu.memory_space<vmem_shared>> -> memref<640xf32, #tpu.memory_space<vmem_shared>>
      %dma_wait3A_43 = arith.constant 0 : i32
      %dma_wait3A_44 = tpu.memref_slice %arg2[%run_scoped3A_9, %dma_wait3A_43] : memref<2x10240xf32, #tpu.memory_space<hbm>> -> memref<1x10240xf32, #tpu.memory_space<hbm>>
      %dma_wait3A_45 = tpu.memref_squeeze %dma_wait3A_44 : memref<1x10240xf32, #tpu.memory_space<hbm>> -> memref<10240xf32, #tpu.memory_space<hbm>>
      %dma_wait3A_46 = tpu.memref_slice %dma_wait3A_45[%mul3A_6] : memref<10240xf32, #tpu.memory_space<hbm>> -> memref<640xf32, #tpu.memory_space<hbm>>
      tpu.wait_dma2 semaphore(%run_scoped3A_38 : memref<!tpu.dma_semaphore, #tpu.memory_space<semaphore_mem>>) src(%dma_wait3A_46 : memref<640xf32, #tpu.memory_space<hbm>>) dst(%dma_wait3A : memref<640xf32, #tpu.memory_space<vmem_shared>>)
      tpu.yield
    }) : () -> ()
    %run_scoped3A_10 = arith.constant 0 : i32
    "tpu.region"() ({
      %run_scoped3A_38 = tpu.sem_alloc : memref<!tpu.dma_semaphore, #tpu.memory_space<semaphore_mem>>
      %dma_start3A = arith.constant 0 : i32
      %dma_start3A_39 = tpu.memref_slice %arg2[%run_scoped3A_10, %dma_start3A] : memref<2x10240xf32, #tpu.memory_space<hbm>> -> memref<1x10240xf32, #tpu.memory_space<hbm>>
      %dma_start3A_40 = tpu.memref_squeeze %dma_start3A_39 : memref<1x10240xf32, #tpu.memory_space<hbm>> -> memref<10240xf32, #tpu.memory_space<hbm>>
      %dma_start3A_41 = arith.constant 0 : i32
      %dma_start3A_42 = tpu.memref_slice %arg2[%run_scoped3A_10, %dma_start3A_41] : memref<2x10240xf32, #tpu.memory_space<hbm>> -> memref<1x10240xf32, #tpu.memory_space<hbm>>
      %dma_start3A_43 = tpu.memref_squeeze %dma_start3A_42 : memref<1x10240xf32, #tpu.memory_space<hbm>> -> memref<10240xf32, #tpu.memory_space<hbm>>
      tpu.enqueue_dma source(%dma_start3A_43 : memref<10240xf32, #tpu.memory_space<hbm>>) target(%arg8 : memref<10240xf32, #tpu.memory_space<vmem>>) target_semaphore(%run_scoped3A_38 : memref<!tpu.dma_semaphore, #tpu.memory_space<semaphore_mem>>)
      %dma_wait3A = arith.constant 0 : i32
      %dma_wait3A_44 = tpu.memref_slice %arg2[%run_scoped3A_10, %dma_wait3A] : memref<2x10240xf32, #tpu.memory_space<hbm>> -> memref<1x10240xf32, #tpu.memory_space<hbm>>
      %dma_wait3A_45 = tpu.memref_squeeze %dma_wait3A_44 : memref<1x10240xf32, #tpu.memory_space<hbm>> -> memref<10240xf32, #tpu.memory_space<hbm>>
      %dma_wait3A_46 = arith.constant 0 : i32
      %dma_wait3A_47 = tpu.memref_slice %arg2[%run_scoped3A_10, %dma_wait3A_46] : memref<2x10240xf32, #tpu.memory_space<hbm>> -> memref<1x10240xf32, #tpu.memory_space<hbm>>
      %dma_wait3A_48 = tpu.memref_squeeze %dma_wait3A_47 : memref<1x10240xf32, #tpu.memory_space<hbm>> -> memref<10240xf32, #tpu.memory_space<hbm>>
      tpu.wait_dma2 semaphore(%run_scoped3A_38 : memref<!tpu.dma_semaphore, #tpu.memory_space<semaphore_mem>>) src(%dma_wait3A_48 : memref<10240xf32, #tpu.memory_space<hbm>>) dst(%arg8 : memref<10240xf32, #tpu.memory_space<vmem>>)
      tpu.yield
    }) : () -> ()
    %run_scoped3A_11 = arith.constant 1 : i32
    "tpu.region"() ({
      %run_scoped3A_38 = tpu.sem_alloc : memref<!tpu.dma_semaphore, #tpu.memory_space<semaphore_mem>>
      %dma_start3A = arith.constant 0 : i32
      %dma_start3A_39 = tpu.memref_slice %arg2[%run_scoped3A_11, %dma_start3A] : memref<2x10240xf32, #tpu.memory_space<hbm>> -> memref<1x10240xf32, #tpu.memory_space<hbm>>
      %dma_start3A_40 = tpu.memref_squeeze %dma_start3A_39 : memref<1x10240xf32, #tpu.memory_space<hbm>> -> memref<10240xf32, #tpu.memory_space<hbm>>
      %dma_start3A_41 = arith.constant 0 : i32
      %dma_start3A_42 = tpu.memref_slice %arg2[%run_scoped3A_11, %dma_start3A_41] : memref<2x10240xf32, #tpu.memory_space<hbm>> -> memref<1x10240xf32, #tpu.memory_space<hbm>>
      %dma_start3A_43 = tpu.memref_squeeze %dma_start3A_42 : memref<1x10240xf32, #tpu.memory_space<hbm>> -> memref<10240xf32, #tpu.memory_space<hbm>>
      tpu.enqueue_dma source(%dma_start3A_43 : memref<10240xf32, #tpu.memory_space<hbm>>) target(%arg9 : memref<10240xf32, #tpu.memory_space<vmem>>) target_semaphore(%run_scoped3A_38 : memref<!tpu.dma_semaphore, #tpu.memory_space<semaphore_mem>>)
      %dma_wait3A = arith.constant 0 : i32
      %dma_wait3A_44 = tpu.memref_slice %arg2[%run_scoped3A_11, %dma_wait3A] : memref<2x10240xf32, #tpu.memory_space<hbm>> -> memref<1x10240xf32, #tpu.memory_space<hbm>>
      %dma_wait3A_45 = tpu.memref_squeeze %dma_wait3A_44 : memref<1x10240xf32, #tpu.memory_space<hbm>> -> memref<10240xf32, #tpu.memory_space<hbm>>
      %dma_wait3A_46 = arith.constant 0 : i32
      %dma_wait3A_47 = tpu.memref_slice %arg2[%run_scoped3A_11, %dma_wait3A_46] : memref<2x10240xf32, #tpu.memory_space<hbm>> -> memref<1x10240xf32, #tpu.memory_space<hbm>>
      %dma_wait3A_48 = tpu.memref_squeeze %dma_wait3A_47 : memref<1x10240xf32, #tpu.memory_space<hbm>> -> memref<10240xf32, #tpu.memory_space<hbm>>
      tpu.wait_dma2 semaphore(%run_scoped3A_38 : memref<!tpu.dma_semaphore, #tpu.memory_space<semaphore_mem>>) src(%dma_wait3A_48 : memref<10240xf32, #tpu.memory_space<hbm>>) dst(%arg9 : memref<10240xf32, #tpu.memory_space<vmem>>)
      tpu.yield
    }) : () -> ()
    %barrier3A = arith.constant 0 : index
    tpu.barrier barrier_id(%barrier3A)
    %scan3A = arith.constant 0 : i32
    %scan3A_12 = arith.constant 0 : i32
    %scan3A_13 = arith.constant 10 : i32
    %scan3A_14 = arith.addi %scan3A_12, %scan3A_13 : i32
    %scan3A_15 = arith.constant 1 : i32
    scf.for %scan3A_38 = %scan3A_12 to %scan3A_14 step %scan3A_15  : i32 {
      %mul3A_39 = arith.constant 10 : i32
      %mul3A_40 = arith.muli %add3A, %mul3A_39 : i32
      %add3A_41 = arith.addi %mul3A_40, %scan3A_38 : i32
      "tpu.region"() ({
        %run_scoped3A_90 = tpu.sem_alloc : memref<!tpu.dma_semaphore, #tpu.memory_space<semaphore_mem>>
        %dma_start3A = arith.constant 0 : i32
        %dma_start3A_91 = arith.constant 0 : i32
        %dma_start3A_92 = tpu.memref_slice %arg3[%add3A_41, %dma_start3A, %dma_start3A_91] : memref<320x8x128xi32, #tpu.memory_space<hbm>> -> memref<1x8x128xi32, #tpu.memory_space<hbm>>
        %dma_start3A_93 = tpu.memref_squeeze %dma_start3A_92 : memref<1x8x128xi32, #tpu.memory_space<hbm>> -> memref<8x128xi32, #tpu.memory_space<hbm>>
        %dma_start3A_94 = arith.constant 0 : i32
        %dma_start3A_95 = arith.constant 0 : i32
        %dma_start3A_96 = tpu.memref_slice %arg3[%add3A_41, %dma_start3A_94, %dma_start3A_95] : memref<320x8x128xi32, #tpu.memory_space<hbm>> -> memref<1x8x128xi32, #tpu.memory_space<hbm>>
        %dma_start3A_97 = tpu.memref_squeeze %dma_start3A_96 : memref<1x8x128xi32, #tpu.memory_space<hbm>> -> memref<8x128xi32, #tpu.memory_space<hbm>>
        tpu.enqueue_dma source(%dma_start3A_97 : memref<8x128xi32, #tpu.memory_space<hbm>>) target(%arg6 : memref<8x128xi32, #tpu.memory_space<vmem>>) target_semaphore(%run_scoped3A_90 : memref<!tpu.dma_semaphore, #tpu.memory_space<semaphore_mem>>)
        %dma_wait3A_98 = arith.constant 0 : i32
        %dma_wait3A_99 = arith.constant 0 : i32
        %dma_wait3A_100 = tpu.memref_slice %arg3[%add3A_41, %dma_wait3A_98, %dma_wait3A_99] : memref<320x8x128xi32, #tpu.memory_space<hbm>> -> memref<1x8x128xi32, #tpu.memory_space<hbm>>
        %dma_wait3A_101 = tpu.memref_squeeze %dma_wait3A_100 : memref<1x8x128xi32, #tpu.memory_space<hbm>> -> memref<8x128xi32, #tpu.memory_space<hbm>>
        %dma_wait3A_102 = arith.constant 0 : i32
        %dma_wait3A_103 = arith.constant 0 : i32
        %dma_wait3A_104 = tpu.memref_slice %arg3[%add3A_41, %dma_wait3A_102, %dma_wait3A_103] : memref<320x8x128xi32, #tpu.memory_space<hbm>> -> memref<1x8x128xi32, #tpu.memory_space<hbm>>
        %dma_wait3A_105 = tpu.memref_squeeze %dma_wait3A_104 : memref<1x8x128xi32, #tpu.memory_space<hbm>> -> memref<8x128xi32, #tpu.memory_space<hbm>>
        tpu.wait_dma2 semaphore(%run_scoped3A_90 : memref<!tpu.dma_semaphore, #tpu.memory_space<semaphore_mem>>) src(%dma_wait3A_105 : memref<8x128xi32, #tpu.memory_space<hbm>>) dst(%arg6 : memref<8x128xi32, #tpu.memory_space<vmem>>)
        tpu.yield
      }) : () -> ()
      %mul3A_42 = arith.constant 10 : i32
      %mul3A_43 = arith.muli %add3A, %mul3A_42 : i32
      %add3A_44 = arith.addi %mul3A_43, %scan3A_38 : i32
      "tpu.region"() ({
        %run_scoped3A_90 = tpu.sem_alloc : memref<!tpu.dma_semaphore, #tpu.memory_space<semaphore_mem>>
        %dma_start3A = arith.constant 0 : i32
        %dma_start3A_91 = arith.constant 0 : i32
        %dma_start3A_92 = tpu.memref_slice %arg4[%add3A_44, %dma_start3A, %dma_start3A_91] : memref<320x8x128xi32, #tpu.memory_space<hbm>> -> memref<1x8x128xi32, #tpu.memory_space<hbm>>
        %dma_start3A_93 = tpu.memref_squeeze %dma_start3A_92 : memref<1x8x128xi32, #tpu.memory_space<hbm>> -> memref<8x128xi32, #tpu.memory_space<hbm>>
        %dma_start3A_94 = arith.constant 0 : i32
        %dma_start3A_95 = arith.constant 0 : i32
        %dma_start3A_96 = tpu.memref_slice %arg4[%add3A_44, %dma_start3A_94, %dma_start3A_95] : memref<320x8x128xi32, #tpu.memory_space<hbm>> -> memref<1x8x128xi32, #tpu.memory_space<hbm>>
        %dma_start3A_97 = tpu.memref_squeeze %dma_start3A_96 : memref<1x8x128xi32, #tpu.memory_space<hbm>> -> memref<8x128xi32, #tpu.memory_space<hbm>>
        tpu.enqueue_dma source(%dma_start3A_97 : memref<8x128xi32, #tpu.memory_space<hbm>>) target(%arg7 : memref<8x128xi32, #tpu.memory_space<vmem>>) target_semaphore(%run_scoped3A_90 : memref<!tpu.dma_semaphore, #tpu.memory_space<semaphore_mem>>)
        %dma_wait3A_98 = arith.constant 0 : i32
        %dma_wait3A_99 = arith.constant 0 : i32
        %dma_wait3A_100 = tpu.memref_slice %arg4[%add3A_44, %dma_wait3A_98, %dma_wait3A_99] : memref<320x8x128xi32, #tpu.memory_space<hbm>> -> memref<1x8x128xi32, #tpu.memory_space<hbm>>
        %dma_wait3A_101 = tpu.memref_squeeze %dma_wait3A_100 : memref<1x8x128xi32, #tpu.memory_space<hbm>> -> memref<8x128xi32, #tpu.memory_space<hbm>>
        %dma_wait3A_102 = arith.constant 0 : i32
        %dma_wait3A_103 = arith.constant 0 : i32
        %dma_wait3A_104 = tpu.memref_slice %arg4[%add3A_44, %dma_wait3A_102, %dma_wait3A_103] : memref<320x8x128xi32, #tpu.memory_space<hbm>> -> memref<1x8x128xi32, #tpu.memory_space<hbm>>
        %dma_wait3A_105 = tpu.memref_squeeze %dma_wait3A_104 : memref<1x8x128xi32, #tpu.memory_space<hbm>> -> memref<8x128xi32, #tpu.memory_space<hbm>>
        tpu.wait_dma2 semaphore(%run_scoped3A_90 : memref<!tpu.dma_semaphore, #tpu.memory_space<semaphore_mem>>) src(%dma_wait3A_105 : memref<8x128xi32, #tpu.memory_space<hbm>>) dst(%arg7 : memref<8x128xi32, #tpu.memory_space<vmem>>)
        tpu.yield
      }) : () -> ()
      %scan3A_45 = arith.constant 0 : i32
      %scan3A_46 = arith.constant 0 : i32
      %scan3A_47 = arith.constant 8 : i32
      %scan3A_48 = arith.addi %scan3A_46, %scan3A_47 : i32
      %scan3A_49 = arith.constant 1 : i32
      scf.for %scan3A_90 = %scan3A_46 to %scan3A_48 step %scan3A_49  : i32 {
        %rem3A = arith.constant 2 : i32
        %rem3A_91 = arith.remsi %scan3A_90, %rem3A : i32
        %ge3A = arith.constant 2 : i32
        %ge3A_92 = arith.cmpi sge, %scan3A_90, %ge3A : i32
        %convert_element_type3A = arith.extui %ge3A_92 : i1 to i32
        %cond3A = arith.constant 0 : i32
        %cond3A_93 = arith.cmpi ne, %convert_element_type3A, %cond3A : i32
        scf.if %cond3A_93 {
          %dma_wait3A_225 = arith.constant 0 : i32
          %dma_wait3A_226 = arith.constant 0 : i32
          %dma_wait3A_227 = arith.constant 0 : i32
          %dma_wait3A_228 = tpu.memref_slice %arg10[%dma_wait3A_225, %dma_wait3A_227] : memref<2x128xf32, #tpu.memory_space<vmem>> -> memref<1x128xf32, #tpu.memory_space<vmem>>
          %dma_wait3A_229 = tpu.memref_squeeze %dma_wait3A_228 : memref<1x128xf32, #tpu.memory_space<vmem>> -> memref<128xf32, #tpu.memory_space<vmem>>
          %dma_wait3A_230 = arith.constant 0 : i32
          %dma_wait3A_231 = tpu.memref_slice %arg7[%dma_wait3A_226, %dma_wait3A_230] : memref<8x128xi32, #tpu.memory_space<vmem>> -> memref<1x128xi32, #tpu.memory_space<vmem>>
          %dma_wait3A_232 = tpu.memref_squeeze %dma_wait3A_231 : memref<1x128xi32, #tpu.memory_space<vmem>> -> memref<128xi32, #tpu.memory_space<vmem>>
          %dma_wait3A_233 = arith.constant 0 : i32
          %dma_wait3A_234 = tpu.memref_slice %arg12[%dma_wait3A_233] : memref<10240xf32, #tpu.memory_space<vmem_shared>> -> memref<10240xf32, #tpu.memory_space<vmem_shared>>
          tpu.wait_indirect_dma semaphore(%arg14 : memref<!tpu.dma_semaphore, #tpu.memory_space<semaphore_mem>>) src(%dma_wait3A_229 : memref<128xf32, #tpu.memory_space<vmem>>) dst(%dma_wait3A_234 : memref<10240xf32, #tpu.memory_space<vmem_shared>>)
          %dma_wait3A_235 = arith.constant 0 : i32
          %dma_wait3A_236 = arith.constant 0 : i32
          %dma_wait3A_237 = arith.constant 0 : i32
          %dma_wait3A_238 = tpu.memref_slice %arg11[%dma_wait3A_235, %dma_wait3A_237] : memref<2x128xf32, #tpu.memory_space<vmem>> -> memref<1x128xf32, #tpu.memory_space<vmem>>
          %dma_wait3A_239 = tpu.memref_squeeze %dma_wait3A_238 : memref<1x128xf32, #tpu.memory_space<vmem>> -> memref<128xf32, #tpu.memory_space<vmem>>
          %dma_wait3A_240 = arith.constant 0 : i32
          %dma_wait3A_241 = tpu.memref_slice %arg7[%dma_wait3A_236, %dma_wait3A_240] : memref<8x128xi32, #tpu.memory_space<vmem>> -> memref<1x128xi32, #tpu.memory_space<vmem>>
          %dma_wait3A_242 = tpu.memref_squeeze %dma_wait3A_241 : memref<1x128xi32, #tpu.memory_space<vmem>> -> memref<128xi32, #tpu.memory_space<vmem>>
          %dma_wait3A_243 = arith.constant 0 : i32
          %dma_wait3A_244 = tpu.memref_slice %arg13[%dma_wait3A_243] : memref<10240xf32, #tpu.memory_space<vmem_shared>> -> memref<10240xf32, #tpu.memory_space<vmem_shared>>
          tpu.wait_indirect_dma semaphore(%arg14 : memref<!tpu.dma_semaphore, #tpu.memory_space<semaphore_mem>>) src(%dma_wait3A_239 : memref<128xf32, #tpu.memory_space<vmem>>) dst(%dma_wait3A_244 : memref<10240xf32, #tpu.memory_space<vmem_shared>>)
        } else {
        }
        %iota3A = tpu.iota {dimensions = array<i32: 0>} : vector<16xi32>
        %mul3A_94 = arith.constant 0 : i32
        %mul3A_95 = vector.broadcast %mul3A_94 : i32 to vector<16xi32>
        %mul3A_96 = arith.muli %iota3A, %mul3A_95 : vector<16xi32>
        %add3A_97 = vector.broadcast %rem3A_91 : i32 to vector<16xi32>
        %add3A_98 = arith.addi %mul3A_96, %add3A_97 : vector<16xi32>
        %mul3A_99 = arith.constant 0 : i32
        %mul3A_100 = vector.broadcast %mul3A_99 : i32 to vector<16xi32>
        %mul3A_101 = arith.muli %add3A_98, %mul3A_100 : vector<16xi32>
        %add3A_102 = vector.broadcast %scan3A_90 : i32 to vector<16xi32>
        %add3A_103 = arith.addi %mul3A_101, %add3A_102 : vector<16xi32>
        %add3A_104 = arith.constant 0 : i32
        %add3A_105 = vector.broadcast %add3A_104 : i32 to vector<16xi32>
        %add3A_106 = arith.addi %add3A_105, %iota3A : vector<16xi32>
        %gather3A = tpu.vector_load_idx %arg6[%add3A_103, %add3A_106] : memref<8x128xi32, #tpu.memory_space<vmem>>[vector<16xi32>, vector<16xi32>], vector<16xi32>,
        %gather3A_107 = tpu.vector_load_idx %arg8[%gather3A] : memref<10240xf32, #tpu.memory_space<vmem>>[vector<16xi32>], vector<16xf32>,
        %gather3A_108 = tpu.vector_load_idx %arg9[%gather3A] : memref<10240xf32, #tpu.memory_space<vmem>>[vector<16xi32>], vector<16xf32>,
        %add3A_109 = arith.constant 0 : i32
        %add3A_110 = vector.broadcast %add3A_109 : i32 to vector<16xi32>
        %add3A_111 = arith.addi %add3A_110, %iota3A : vector<16xi32>
        tpu.vector_store_idx %arg10[%add3A_98, %add3A_111], %gather3A_107 : memref<2x128xf32, #tpu.memory_space<vmem>>[vector<16xi32>, vector<16xi32>], vector<16xf32>,
        tpu.vector_store_idx %arg11[%add3A_98, %add3A_111], %gather3A_108 : memref<2x128xf32, #tpu.memory_space<vmem>>[vector<16xi32>, vector<16xi32>], vector<16xf32>,
        %mul3A_112 = arith.constant 0 : i32
        %mul3A_113 = vector.broadcast %mul3A_112 : i32 to vector<16xi32>
        %mul3A_114 = arith.muli %add3A_98, %mul3A_113 : vector<16xi32>
        %add3A_115 = vector.broadcast %scan3A_90 : i32 to vector<16xi32>
        %add3A_116 = arith.addi %mul3A_114, %add3A_115 : vector<16xi32>
        %add3A_117 = arith.constant 16 : i32
        %add3A_118 = vector.broadcast %add3A_117 : i32 to vector<16xi32>
        %add3A_119 = arith.addi %add3A_118, %iota3A : vector<16xi32>
        %gather3A_120 = tpu.vector_load_idx %arg6[%add3A_116, %add3A_119] : memref<8x128xi32, #tpu.memory_space<vmem>>[vector<16xi32>, vector<16xi32>], vector<16xi32>,
        %gather3A_121 = tpu.vector_load_idx %arg8[%gather3A_120] : memref<10240xf32, #tpu.memory_space<vmem>>[vector<16xi32>], vector<16xf32>,
        %gather3A_122 = tpu.vector_load_idx %arg9[%gather3A_120] : memref<10240xf32, #tpu.memory_space<vmem>>[vector<16xi32>], vector<16xf32>,
        %add3A_123 = arith.constant 16 : i32
        %add3A_124 = vector.broadcast %add3A_123 : i32 to vector<16xi32>
        %add3A_125 = arith.addi %add3A_124, %iota3A : vector<16xi32>
        tpu.vector_store_idx %arg10[%add3A_98, %add3A_125], %gather3A_121 : memref<2x128xf32, #tpu.memory_space<vmem>>[vector<16xi32>, vector<16xi32>], vector<16xf32>,
        tpu.vector_store_idx %arg11[%add3A_98, %add3A_125], %gather3A_122 : memref<2x128xf32, #tpu.memory_space<vmem>>[vector<16xi32>, vector<16xi32>], vector<16xf32>,
        %mul3A_126 = arith.constant 0 : i32
        %mul3A_127 = vector.broadcast %mul3A_126 : i32 to vector<16xi32>
        %mul3A_128 = arith.muli %add3A_98, %mul3A_127 : vector<16xi32>
        %add3A_129 = vector.broadcast %scan3A_90 : i32 to vector<16xi32>
        %add3A_130 = arith.addi %mul3A_128, %add3A_129 : vector<16xi32>
        %add3A_131 = arith.constant 32 : i32
        %add3A_132 = vector.broadcast %add3A_131 : i32 to vector<16xi32>
        %add3A_133 = arith.addi %add3A_132, %iota3A : vector<16xi32>
        %gather3A_134 = tpu.vector_load_idx %arg6[%add3A_130, %add3A_133] : memref<8x128xi32, #tpu.memory_space<vmem>>[vector<16xi32>, vector<16xi32>], vector<16xi32>,
        %gather3A_135 = tpu.vector_load_idx %arg8[%gather3A_134] : memref<10240xf32, #tpu.memory_space<vmem>>[vector<16xi32>], vector<16xf32>,
        %gather3A_136 = tpu.vector_load_idx %arg9[%gather3A_134] : memref<10240xf32, #tpu.memory_space<vmem>>[vector<16xi32>], vector<16xf32>,
        %add3A_137 = arith.constant 32 : i32
        %add3A_138 = vector.broadcast %add3A_137 : i32 to vector<16xi32>
        %add3A_139 = arith.addi %add3A_138, %iota3A : vector<16xi32>
        tpu.vector_store_idx %arg10[%add3A_98, %add3A_139], %gather3A_135 : memref<2x128xf32, #tpu.memory_space<vmem>>[vector<16xi32>, vector<16xi32>], vector<16xf32>,
        tpu.vector_store_idx %arg11[%add3A_98, %add3A_139], %gather3A_136 : memref<2x128xf32, #tpu.memory_space<vmem>>[vector<16xi32>, vector<16xi32>], vector<16xf32>,
        %mul3A_140 = arith.constant 0 : i32
        %mul3A_141 = vector.broadcast %mul3A_140 : i32 to vector<16xi32>
        %mul3A_142 = arith.muli %add3A_98, %mul3A_141 : vector<16xi32>
        %add3A_143 = vector.broadcast %scan3A_90 : i32 to vector<16xi32>
        %add3A_144 = arith.addi %mul3A_142, %add3A_143 : vector<16xi32>
        %add3A_145 = arith.constant 48 : i32
        %add3A_146 = vector.broadcast %add3A_145 : i32 to vector<16xi32>
        %add3A_147 = arith.addi %add3A_146, %iota3A : vector<16xi32>
        %gather3A_148 = tpu.vector_load_idx %arg6[%add3A_144, %add3A_147] : memref<8x128xi32, #tpu.memory_space<vmem>>[vector<16xi32>, vector<16xi32>], vector<16xi32>,
        %gather3A_149 = tpu.vector_load_idx %arg8[%gather3A_148] : memref<10240xf32, #tpu.memory_space<vmem>>[vector<16xi32>], vector<16xf32>,
        %gather3A_150 = tpu.vector_load_idx %arg9[%gather3A_148] : memref<10240xf32, #tpu.memory_space<vmem>>[vector<16xi32>], vector<16xf32>,
        %add3A_151 = arith.constant 48 : i32
        %add3A_152 = vector.broadcast %add3A_151 : i32 to vector<16xi32>
        %add3A_153 = arith.addi %add3A_152, %iota3A : vector<16xi32>
        tpu.vector_store_idx %arg10[%add3A_98, %add3A_153], %gather3A_149 : memref<2x128xf32, #tpu.memory_space<vmem>>[vector<16xi32>, vector<16xi32>], vector<16xf32>,
        tpu.vector_store_idx %arg11[%add3A_98, %add3A_153], %gather3A_150 : memref<2x128xf32, #tpu.memory_space<vmem>>[vector<16xi32>, vector<16xi32>], vector<16xf32>,
        %mul3A_154 = arith.constant 0 : i32
        %mul3A_155 = vector.broadcast %mul3A_154 : i32 to vector<16xi32>
        %mul3A_156 = arith.muli %add3A_98, %mul3A_155 : vector<16xi32>
        %add3A_157 = vector.broadcast %scan3A_90 : i32 to vector<16xi32>
        %add3A_158 = arith.addi %mul3A_156, %add3A_157 : vector<16xi32>
        %add3A_159 = arith.constant 64 : i32
        %add3A_160 = vector.broadcast %add3A_159 : i32 to vector<16xi32>
        %add3A_161 = arith.addi %add3A_160, %iota3A : vector<16xi32>
        %gather3A_162 = tpu.vector_load_idx %arg6[%add3A_158, %add3A_161] : memref<8x128xi32, #tpu.memory_space<vmem>>[vector<16xi32>, vector<16xi32>], vector<16xi32>,
        %gather3A_163 = tpu.vector_load_idx %arg8[%gather3A_162] : memref<10240xf32, #tpu.memory_space<vmem>>[vector<16xi32>], vector<16xf32>,
        %gather3A_164 = tpu.vector_load_idx %arg9[%gather3A_162] : memref<10240xf32, #tpu.memory_space<vmem>>[vector<16xi32>], vector<16xf32>,
        %add3A_165 = arith.constant 64 : i32
        %add3A_166 = vector.broadcast %add3A_165 : i32 to vector<16xi32>
        %add3A_167 = arith.addi %add3A_166, %iota3A : vector<16xi32>
        tpu.vector_store_idx %arg10[%add3A_98, %add3A_167], %gather3A_163 : memref<2x128xf32, #tpu.memory_space<vmem>>[vector<16xi32>, vector<16xi32>], vector<16xf32>,
        tpu.vector_store_idx %arg11[%add3A_98, %add3A_167], %gather3A_164 : memref<2x128xf32, #tpu.memory_space<vmem>>[vector<16xi32>, vector<16xi32>], vector<16xf32>,
        %mul3A_168 = arith.constant 0 : i32
        %mul3A_169 = vector.broadcast %mul3A_168 : i32 to vector<16xi32>
        %mul3A_170 = arith.muli %add3A_98, %mul3A_169 : vector<16xi32>
        %add3A_171 = vector.broadcast %scan3A_90 : i32 to vector<16xi32>
        %add3A_172 = arith.addi %mul3A_170, %add3A_171 : vector<16xi32>
        %add3A_173 = arith.constant 80 : i32
        %add3A_174 = vector.broadcast %add3A_173 : i32 to vector<16xi32>
        %add3A_175 = arith.addi %add3A_174, %iota3A : vector<16xi32>
        %gather3A_176 = tpu.vector_load_idx %arg6[%add3A_172, %add3A_175] : memref<8x128xi32, #tpu.memory_space<vmem>>[vector<16xi32>, vector<16xi32>], vector<16xi32>,
        %gather3A_177 = tpu.vector_load_idx %arg8[%gather3A_176] : memref<10240xf32, #tpu.memory_space<vmem>>[vector<16xi32>], vector<16xf32>,
        %gather3A_178 = tpu.vector_load_idx %arg9[%gather3A_176] : memref<10240xf32, #tpu.memory_space<vmem>>[vector<16xi32>], vector<16xf32>,
        %add3A_179 = arith.constant 80 : i32
        %add3A_180 = vector.broadcast %add3A_179 : i32 to vector<16xi32>
        %add3A_181 = arith.addi %add3A_180, %iota3A : vector<16xi32>
        tpu.vector_store_idx %arg10[%add3A_98, %add3A_181], %gather3A_177 : memref<2x128xf32, #tpu.memory_space<vmem>>[vector<16xi32>, vector<16xi32>], vector<16xf32>,
        tpu.vector_store_idx %arg11[%add3A_98, %add3A_181], %gather3A_178 : memref<2x128xf32, #tpu.memory_space<vmem>>[vector<16xi32>, vector<16xi32>], vector<16xf32>,
        %mul3A_182 = arith.constant 0 : i32
        %mul3A_183 = vector.broadcast %mul3A_182 : i32 to vector<16xi32>
        %mul3A_184 = arith.muli %add3A_98, %mul3A_183 : vector<16xi32>
        %add3A_185 = vector.broadcast %scan3A_90 : i32 to vector<16xi32>
        %add3A_186 = arith.addi %mul3A_184, %add3A_185 : vector<16xi32>
        %add3A_187 = arith.constant 96 : i32
        %add3A_188 = vector.broadcast %add3A_187 : i32 to vector<16xi32>
        %add3A_189 = arith.addi %add3A_188, %iota3A : vector<16xi32>
        %gather3A_190 = tpu.vector_load_idx %arg6[%add3A_186, %add3A_189] : memref<8x128xi32, #tpu.memory_space<vmem>>[vector<16xi32>, vector<16xi32>], vector<16xi32>,
        %gather3A_191 = tpu.vector_load_idx %arg8[%gather3A_190] : memref<10240xf32, #tpu.memory_space<vmem>>[vector<16xi32>], vector<16xf32>,
        %gather3A_192 = tpu.vector_load_idx %arg9[%gather3A_190] : memref<10240xf32, #tpu.memory_space<vmem>>[vector<16xi32>], vector<16xf32>,
        %add3A_193 = arith.constant 96 : i32
        %add3A_194 = vector.broadcast %add3A_193 : i32 to vector<16xi32>
        %add3A_195 = arith.addi %add3A_194, %iota3A : vector<16xi32>
        tpu.vector_store_idx %arg10[%add3A_98, %add3A_195], %gather3A_191 : memref<2x128xf32, #tpu.memory_space<vmem>>[vector<16xi32>, vector<16xi32>], vector<16xf32>,
        tpu.vector_store_idx %arg11[%add3A_98, %add3A_195], %gather3A_192 : memref<2x128xf32, #tpu.memory_space<vmem>>[vector<16xi32>, vector<16xi32>], vector<16xf32>,
        %mul3A_196 = arith.constant 0 : i32
        %mul3A_197 = vector.broadcast %mul3A_196 : i32 to vector<16xi32>
        %mul3A_198 = arith.muli %add3A_98, %mul3A_197 : vector<16xi32>
        %add3A_199 = vector.broadcast %scan3A_90 : i32 to vector<16xi32>
        %add3A_200 = arith.addi %mul3A_198, %add3A_199 : vector<16xi32>
        %add3A_201 = arith.constant 112 : i32
        %add3A_202 = vector.broadcast %add3A_201 : i32 to vector<16xi32>
        %add3A_203 = arith.addi %add3A_202, %iota3A : vector<16xi32>
        %gather3A_204 = tpu.vector_load_idx %arg6[%add3A_200, %add3A_203] : memref<8x128xi32, #tpu.memory_space<vmem>>[vector<16xi32>, vector<16xi32>], vector<16xi32>,
        %gather3A_205 = tpu.vector_load_idx %arg8[%gather3A_204] : memref<10240xf32, #tpu.memory_space<vmem>>[vector<16xi32>], vector<16xf32>,
        %gather3A_206 = tpu.vector_load_idx %arg9[%gather3A_204] : memref<10240xf32, #tpu.memory_space<vmem>>[vector<16xi32>], vector<16xf32>,
        %add3A_207 = arith.constant 112 : i32
        %add3A_208 = vector.broadcast %add3A_207 : i32 to vector<16xi32>
        %add3A_209 = arith.addi %add3A_208, %iota3A : vector<16xi32>
        tpu.vector_store_idx %arg10[%add3A_98, %add3A_209], %gather3A_205 : memref<2x128xf32, #tpu.memory_space<vmem>>[vector<16xi32>, vector<16xi32>], vector<16xf32>,
        tpu.vector_store_idx %arg11[%add3A_98, %add3A_209], %gather3A_206 : memref<2x128xf32, #tpu.memory_space<vmem>>[vector<16xi32>, vector<16xi32>], vector<16xf32>,
        %dma_start3A = arith.constant 0 : i32
        %dma_start3A_210 = tpu.memref_slice %arg10[%rem3A_91, %dma_start3A] : memref<2x128xf32, #tpu.memory_space<vmem>> -> memref<1x128xf32, #tpu.memory_space<vmem>>
        %dma_start3A_211 = tpu.memref_squeeze %dma_start3A_210 : memref<1x128xf32, #tpu.memory_space<vmem>> -> memref<128xf32, #tpu.memory_space<vmem>>
        %dma_start3A_212 = arith.constant 0 : i32
        %dma_start3A_213 = tpu.memref_slice %arg7[%scan3A_90, %dma_start3A_212] : memref<8x128xi32, #tpu.memory_space<vmem>> -> memref<1x128xi32, #tpu.memory_space<vmem>>
        %dma_start3A_214 = tpu.memref_squeeze %dma_start3A_213 : memref<1x128xi32, #tpu.memory_space<vmem>> -> memref<128xi32, #tpu.memory_space<vmem>>
        %dma_start3A_215 = arith.constant 0 : i32
        %dma_start3A_216 = tpu.memref_slice %arg12[%dma_start3A_215] : memref<10240xf32, #tpu.memory_space<vmem_shared>> -> memref<10240xf32, #tpu.memory_space<vmem_shared>>
        tpu.enqueue_indirect_dma source(%dma_start3A_211 : memref<128xf32, #tpu.memory_space<vmem>>) target(%dma_start3A_216 : memref<10240xf32, #tpu.memory_space<vmem_shared>>) offsets(%dma_start3A_214 : memref<128xi32, #tpu.memory_space<vmem>>) semaphore(%arg14 : memref<!tpu.dma_semaphore, #tpu.memory_space<semaphore_mem>>) {add = true}
        %dma_start3A_217 = arith.constant 0 : i32
        %dma_start3A_218 = tpu.memref_slice %arg11[%rem3A_91, %dma_start3A_217] : memref<2x128xf32, #tpu.memory_space<vmem>> -> memref<1x128xf32, #tpu.memory_space<vmem>>
        %dma_start3A_219 = tpu.memref_squeeze %dma_start3A_218 : memref<1x128xf32, #tpu.memory_space<vmem>> -> memref<128xf32, #tpu.memory_space<vmem>>
        %dma_start3A_220 = arith.constant 0 : i32
        %dma_start3A_221 = tpu.memref_slice %arg7[%scan3A_90, %dma_start3A_220] : memref<8x128xi32, #tpu.memory_space<vmem>> -> memref<1x128xi32, #tpu.memory_space<vmem>>
        %dma_start3A_222 = tpu.memref_squeeze %dma_start3A_221 : memref<1x128xi32, #tpu.memory_space<vmem>> -> memref<128xi32, #tpu.memory_space<vmem>>
        %dma_start3A_223 = arith.constant 0 : i32
        %dma_start3A_224 = tpu.memref_slice %arg13[%dma_start3A_223] : memref<10240xf32, #tpu.memory_space<vmem_shared>> -> memref<10240xf32, #tpu.memory_space<vmem_shared>>
        tpu.enqueue_indirect_dma source(%dma_start3A_219 : memref<128xf32, #tpu.memory_space<vmem>>) target(%dma_start3A_224 : memref<10240xf32, #tpu.memory_space<vmem_shared>>) offsets(%dma_start3A_222 : memref<128xi32, #tpu.memory_space<vmem>>) semaphore(%arg14 : memref<!tpu.dma_semaphore, #tpu.memory_space<semaphore_mem>>) {add = true}
      }
      %scan3A_50 = arith.constant 8 : i32
      %dma_wait3A = arith.constant 0 : i32
      %dma_wait3A_51 = arith.constant 0 : i32
      %dma_wait3A_52 = arith.constant 0 : i32
      %dma_wait3A_53 = tpu.memref_slice %arg10[%dma_wait3A, %dma_wait3A_52] : memref<2x128xf32, #tpu.memory_space<vmem>> -> memref<1x128xf32, #tpu.memory_space<vmem>>
      %dma_wait3A_54 = tpu.memref_squeeze %dma_wait3A_53 : memref<1x128xf32, #tpu.memory_space<vmem>> -> memref<128xf32, #tpu.memory_space<vmem>>
      %dma_wait3A_55 = arith.constant 0 : i32
      %dma_wait3A_56 = tpu.memref_slice %arg7[%dma_wait3A_51, %dma_wait3A_55] : memref<8x128xi32, #tpu.memory_space<vmem>> -> memref<1x128xi32, #tpu.memory_space<vmem>>
      %dma_wait3A_57 = tpu.memref_squeeze %dma_wait3A_56 : memref<1x128xi32, #tpu.memory_space<vmem>> -> memref<128xi32, #tpu.memory_space<vmem>>
      %dma_wait3A_58 = arith.constant 0 : i32
      %dma_wait3A_59 = tpu.memref_slice %arg12[%dma_wait3A_58] : memref<10240xf32, #tpu.memory_space<vmem_shared>> -> memref<10240xf32, #tpu.memory_space<vmem_shared>>
      tpu.wait_indirect_dma semaphore(%arg14 : memref<!tpu.dma_semaphore, #tpu.memory_space<semaphore_mem>>) src(%dma_wait3A_54 : memref<128xf32, #tpu.memory_space<vmem>>) dst(%dma_wait3A_59 : memref<10240xf32, #tpu.memory_space<vmem_shared>>)
      %dma_wait3A_60 = arith.constant 0 : i32
      %dma_wait3A_61 = arith.constant 0 : i32
      %dma_wait3A_62 = arith.constant 0 : i32
      %dma_wait3A_63 = tpu.memref_slice %arg11[%dma_wait3A_60, %dma_wait3A_62] : memref<2x128xf32, #tpu.memory_space<vmem>> -> memref<1x128xf32, #tpu.memory_space<vmem>>
      %dma_wait3A_64 = tpu.memref_squeeze %dma_wait3A_63 : memref<1x128xf32, #tpu.memory_space<vmem>> -> memref<128xf32, #tpu.memory_space<vmem>>
      %dma_wait3A_65 = arith.constant 0 : i32
      %dma_wait3A_66 = tpu.memref_slice %arg7[%dma_wait3A_61, %dma_wait3A_65] : memref<8x128xi32, #tpu.memory_space<vmem>> -> memref<1x128xi32, #tpu.memory_space<vmem>>
      %dma_wait3A_67 = tpu.memref_squeeze %dma_wait3A_66 : memref<1x128xi32, #tpu.memory_space<vmem>> -> memref<128xi32, #tpu.memory_space<vmem>>
      %dma_wait3A_68 = arith.constant 0 : i32
      %dma_wait3A_69 = tpu.memref_slice %arg13[%dma_wait3A_68] : memref<10240xf32, #tpu.memory_space<vmem_shared>> -> memref<10240xf32, #tpu.memory_space<vmem_shared>>
      tpu.wait_indirect_dma semaphore(%arg14 : memref<!tpu.dma_semaphore, #tpu.memory_space<semaphore_mem>>) src(%dma_wait3A_64 : memref<128xf32, #tpu.memory_space<vmem>>) dst(%dma_wait3A_69 : memref<10240xf32, #tpu.memory_space<vmem_shared>>)
      %dma_wait3A_70 = arith.constant 1 : i32
      %dma_wait3A_71 = arith.constant 0 : i32
      %dma_wait3A_72 = arith.constant 0 : i32
      %dma_wait3A_73 = tpu.memref_slice %arg10[%dma_wait3A_70, %dma_wait3A_72] : memref<2x128xf32, #tpu.memory_space<vmem>> -> memref<1x128xf32, #tpu.memory_space<vmem>>
      %dma_wait3A_74 = tpu.memref_squeeze %dma_wait3A_73 : memref<1x128xf32, #tpu.memory_space<vmem>> -> memref<128xf32, #tpu.memory_space<vmem>>
      %dma_wait3A_75 = arith.constant 0 : i32
      %dma_wait3A_76 = tpu.memref_slice %arg7[%dma_wait3A_71, %dma_wait3A_75] : memref<8x128xi32, #tpu.memory_space<vmem>> -> memref<1x128xi32, #tpu.memory_space<vmem>>
      %dma_wait3A_77 = tpu.memref_squeeze %dma_wait3A_76 : memref<1x128xi32, #tpu.memory_space<vmem>> -> memref<128xi32, #tpu.memory_space<vmem>>
      %dma_wait3A_78 = arith.constant 0 : i32
      %dma_wait3A_79 = tpu.memref_slice %arg12[%dma_wait3A_78] : memref<10240xf32, #tpu.memory_space<vmem_shared>> -> memref<10240xf32, #tpu.memory_space<vmem_shared>>
      tpu.wait_indirect_dma semaphore(%arg14 : memref<!tpu.dma_semaphore, #tpu.memory_space<semaphore_mem>>) src(%dma_wait3A_74 : memref<128xf32, #tpu.memory_space<vmem>>) dst(%dma_wait3A_79 : memref<10240xf32, #tpu.memory_space<vmem_shared>>)
      %dma_wait3A_80 = arith.constant 1 : i32
      %dma_wait3A_81 = arith.constant 0 : i32
      %dma_wait3A_82 = arith.constant 0 : i32
      %dma_wait3A_83 = tpu.memref_slice %arg11[%dma_wait3A_80, %dma_wait3A_82] : memref<2x128xf32, #tpu.memory_space<vmem>> -> memref<1x128xf32, #tpu.memory_space<vmem>>
      %dma_wait3A_84 = tpu.memref_squeeze %dma_wait3A_83 : memref<1x128xf32, #tpu.memory_space<vmem>> -> memref<128xf32, #tpu.memory_space<vmem>>
      %dma_wait3A_85 = arith.constant 0 : i32
      %dma_wait3A_86 = tpu.memref_slice %arg7[%dma_wait3A_81, %dma_wait3A_85] : memref<8x128xi32, #tpu.memory_space<vmem>> -> memref<1x128xi32, #tpu.memory_space<vmem>>
      %dma_wait3A_87 = tpu.memref_squeeze %dma_wait3A_86 : memref<1x128xi32, #tpu.memory_space<vmem>> -> memref<128xi32, #tpu.memory_space<vmem>>
      %dma_wait3A_88 = arith.constant 0 : i32
      %dma_wait3A_89 = tpu.memref_slice %arg13[%dma_wait3A_88] : memref<10240xf32, #tpu.memory_space<vmem_shared>> -> memref<10240xf32, #tpu.memory_space<vmem_shared>>
      tpu.wait_indirect_dma semaphore(%arg14 : memref<!tpu.dma_semaphore, #tpu.memory_space<semaphore_mem>>) src(%dma_wait3A_84 : memref<128xf32, #tpu.memory_space<vmem>>) dst(%dma_wait3A_89 : memref<10240xf32, #tpu.memory_space<vmem_shared>>)
    }
    %scan3A_16 = arith.constant 10 : i32
    %barrier3A_17 = arith.constant 0 : index
    tpu.barrier barrier_id(%barrier3A_17)
    %mul3A_18 = arith.constant 640 : i32
    %mul3A_19 = arith.muli %arg1, %mul3A_18 : i32
    %mul3A_20 = arith.constant 2 : i32
    %mul3A_21 = arith.muli %arg0, %mul3A_20 : i32
    %mul3A_22 = arith.constant 10240 : i32
    %mul3A_23 = arith.muli %mul3A_21, %mul3A_22 : i32
    %mul3A_24 = arith.constant 640 : i32
    %mul3A_25 = arith.muli %arg1, %mul3A_24 : i32
    %add3A_26 = arith.addi %mul3A_23, %mul3A_25 : i32
    "tpu.region"() ({
      %run_scoped3A_38 = tpu.sem_alloc : memref<!tpu.dma_semaphore, #tpu.memory_space<semaphore_mem>>
      %dma_start3A = tpu.memref_slice %arg5[%add3A_26] : memref<40960xf32, #tpu.memory_space<hbm>> -> memref<640xf32, #tpu.memory_space<hbm>>
      %dma_start3A_39 = tpu.memref_slice %arg12[%mul3A_19] : memref<10240xf32, #tpu.memory_space<vmem_shared>> -> memref<640xf32, #tpu.memory_space<vmem_shared>>
      tpu.enqueue_dma source(%dma_start3A_39 : memref<640xf32, #tpu.memory_space<vmem_shared>>) target(%dma_start3A : memref<640xf32, #tpu.memory_space<hbm>>) target_semaphore(%run_scoped3A_38 : memref<!tpu.dma_semaphore, #tpu.memory_space<semaphore_mem>>)
      %dma_wait3A = tpu.memref_slice %arg5[%add3A_26] : memref<40960xf32, #tpu.memory_space<hbm>> -> memref<640xf32, #tpu.memory_space<hbm>>
      %dma_wait3A_40 = tpu.memref_slice %arg12[%mul3A_19] : memref<10240xf32, #tpu.memory_space<vmem_shared>> -> memref<640xf32, #tpu.memory_space<vmem_shared>>
      tpu.wait_dma2 semaphore(%run_scoped3A_38 : memref<!tpu.dma_semaphore, #tpu.memory_space<semaphore_mem>>) src(%dma_wait3A_40 : memref<640xf32, #tpu.memory_space<vmem_shared>>) dst(%dma_wait3A : memref<640xf32, #tpu.memory_space<hbm>>)
      tpu.yield
    }) : () -> ()
    %mul3A_27 = arith.constant 640 : i32
    %mul3A_28 = arith.muli %arg1, %mul3A_27 : i32
    %mul3A_29 = arith.constant 2 : i32
    %mul3A_30 = arith.muli %arg0, %mul3A_29 : i32
    %mul3A_31 = arith.constant 10240 : i32
    %mul3A_32 = arith.muli %mul3A_30, %mul3A_31 : i32
    %add3A_33 = arith.constant 10240 : i32
    %add3A_34 = arith.addi %mul3A_32, %add3A_33 : i32
    %mul3A_35 = arith.constant 640 : i32
    %mul3A_36 = arith.muli %arg1, %mul3A_35 : i32
    %add3A_37 = arith.addi %add3A_34, %mul3A_36 : i32
    "tpu.region"() ({
      %run_scoped3A_38 = tpu.sem_alloc : memref<!tpu.dma_semaphore, #tpu.memory_space<semaphore_mem>>
      %dma_start3A = tpu.memref_slice %arg5[%add3A_37] : memref<40960xf32, #tpu.memory_space<hbm>> -> memref<640xf32, #tpu.memory_space<hbm>>
      %dma_start3A_39 = tpu.memref_slice %arg13[%mul3A_28] : memref<10240xf32, #tpu.memory_space<vmem_shared>> -> memref<640xf32, #tpu.memory_space<vmem_shared>>
      tpu.enqueue_dma source(%dma_start3A_39 : memref<640xf32, #tpu.memory_space<vmem_shared>>) target(%dma_start3A : memref<640xf32, #tpu.memory_space<hbm>>) target_semaphore(%run_scoped3A_38 : memref<!tpu.dma_semaphore, #tpu.memory_space<semaphore_mem>>)
      %dma_wait3A = tpu.memref_slice %arg5[%add3A_37] : memref<40960xf32, #tpu.memory_space<hbm>> -> memref<640xf32, #tpu.memory_space<hbm>>
      %dma_wait3A_40 = tpu.memref_slice %arg13[%mul3A_28] : memref<10240xf32, #tpu.memory_space<vmem_shared>> -> memref<640xf32, #tpu.memory_space<vmem_shared>>
      tpu.wait_dma2 semaphore(%run_scoped3A_38 : memref<!tpu.dma_semaphore, #tpu.memory_space<semaphore_mem>>) src(%dma_wait3A_40 : memref<640xf32, #tpu.memory_space<vmem_shared>>) dst(%dma_wait3A : memref<640xf32, #tpu.memory_space<hbm>>)
      tpu.yield
    }) : () -> ()
    return
  }
}

#map = affine_map<(d0, d1) -> (0, 0)>
#map1 = affine_map<(d0, d1) -> (0, 0, 0)>
module attributes {stable_mosaic.version = 14 : i64} {
  func.func @agg(%arg0: i32, %arg1: i32, %arg2: memref<10240x128xf32, #tpu.memory_space<hbm>>, %arg3: memref<640x128xf32, #tpu.memory_space<hbm>>, %arg4: memref<320x8x128xi32, #tpu.memory_space<hbm>>, %arg5: memref<320x8x128xi32, #tpu.memory_space<hbm>>, %arg6: memref<20480x128xf32, #tpu.memory_space<hbm>>, %arg7: memref<8x128xi32, #tpu.memory_space<vmem>>, %arg8: memref<8x128xi32, #tpu.memory_space<vmem>>, %arg9: memref<2x128x128xf32, #tpu.memory_space<vmem>>, %arg10: memref<10240x128xf32, #tpu.memory_space<vmem_shared>>, %arg11: memref<!tpu.dma_semaphore, #tpu.memory_space<semaphore_mem>>, %arg12: memref<!tpu.dma_semaphore, #tpu.memory_space<semaphore_mem>>) attributes {dimension_semantics = [#tpu.dimension_semantics<core_parallel>, #tpu.dimension_semantics<subcore_parallel>], iteration_bounds = array<i64: 2, 16>, scalar_prefetch = 0 : i64, scratch_operands = 6 : i64, tpu.core_type = #tpu.core_type<sc_vector_subcore>, window_params = [{transform_indices = #map}, {transform_indices = #map}, {transform_indices = #map1}, {transform_indices = #map1}, {transform_indices = #map}]} {
    %mul3A = arith.constant 16 : i32
    %mul3A_0 = arith.muli %arg0, %mul3A : i32
    %add3A = arith.addi %mul3A_0, %arg1 : i32
    %eq3A = arith.constant 0 : i32
    %eq3A_1 = arith.cmpi eq, %arg0, %eq3A : i32
    %convert_element_type3A = arith.extui %eq3A_1 : i1 to i32
    %cond3A = arith.constant 0 : i32
    %cond3A_2 = arith.cmpi ne, %convert_element_type3A, %cond3A : i32
    scf.if %cond3A_2 {
      %mul3A_20 = arith.constant 640 : i32
      %mul3A_21 = arith.muli %arg1, %mul3A_20 : i32
      %mul3A_22 = arith.constant 640 : i32
      %mul3A_23 = arith.muli %arg1, %mul3A_22 : i32
      "tpu.region"() ({
        %run_scoped3A = tpu.sem_alloc : memref<!tpu.dma_semaphore, #tpu.memory_space<semaphore_mem>>
        %dma_start3A = arith.constant 0 : i32
        %dma_start3A_24 = tpu.memref_slice %arg10[%mul3A_23, %dma_start3A] : memref<10240x128xf32, #tpu.memory_space<vmem_shared>> -> memref<640x128xf32, #tpu.memory_space<vmem_shared>>
        %dma_start3A_25 = arith.constant 0 : i32
        %dma_start3A_26 = tpu.memref_slice %arg2[%mul3A_21, %dma_start3A_25] : memref<10240x128xf32, #tpu.memory_space<hbm>> -> memref<640x128xf32, #tpu.memory_space<hbm>>
        tpu.enqueue_dma source(%dma_start3A_26 : memref<640x128xf32, #tpu.memory_space<hbm>>) target(%dma_start3A_24 : memref<640x128xf32, #tpu.memory_space<vmem_shared>>) target_semaphore(%run_scoped3A : memref<!tpu.dma_semaphore, #tpu.memory_space<semaphore_mem>>)
        %dma_wait3A = arith.constant 0 : i32
        %dma_wait3A_27 = tpu.memref_slice %arg10[%mul3A_23, %dma_wait3A] : memref<10240x128xf32, #tpu.memory_space<vmem_shared>> -> memref<640x128xf32, #tpu.memory_space<vmem_shared>>
        %dma_wait3A_28 = arith.constant 0 : i32
        %dma_wait3A_29 = tpu.memref_slice %arg2[%mul3A_21, %dma_wait3A_28] : memref<10240x128xf32, #tpu.memory_space<hbm>> -> memref<640x128xf32, #tpu.memory_space<hbm>>
        tpu.wait_dma2 semaphore(%run_scoped3A : memref<!tpu.dma_semaphore, #tpu.memory_space<semaphore_mem>>) src(%dma_wait3A_29 : memref<640x128xf32, #tpu.memory_space<hbm>>) dst(%dma_wait3A_27 : memref<640x128xf32, #tpu.memory_space<vmem_shared>>)
        tpu.yield
      }) : () -> ()
    } else {
    }
    %ne3A = arith.constant 0 : i32
    %ne3A_3 = arith.cmpi ne, %arg0, %ne3A : i32
    %convert_element_type3A_4 = arith.extui %ne3A_3 : i1 to i32
    %cond3A_5 = arith.constant 0 : i32
    %cond3A_6 = arith.cmpi ne, %convert_element_type3A_4, %cond3A_5 : i32
    scf.if %cond3A_6 {
      %mul3A_20 = arith.constant 640 : i32
      %mul3A_21 = arith.muli %arg1, %mul3A_20 : i32
      "tpu.region"() ({
        %run_scoped3A = tpu.sem_alloc : memref<!tpu.dma_semaphore, #tpu.memory_space<semaphore_mem>>
        %dma_start3A = arith.constant 0 : i32
        %dma_start3A_22 = tpu.memref_slice %arg10[%mul3A_21, %dma_start3A] : memref<10240x128xf32, #tpu.memory_space<vmem_shared>> -> memref<640x128xf32, #tpu.memory_space<vmem_shared>>
        tpu.enqueue_dma source(%arg3 : memref<640x128xf32, #tpu.memory_space<hbm>>) target(%dma_start3A_22 : memref<640x128xf32, #tpu.memory_space<vmem_shared>>) target_semaphore(%run_scoped3A : memref<!tpu.dma_semaphore, #tpu.memory_space<semaphore_mem>>)
        %dma_wait3A = arith.constant 0 : i32
        %dma_wait3A_23 = tpu.memref_slice %arg10[%mul3A_21, %dma_wait3A] : memref<10240x128xf32, #tpu.memory_space<vmem_shared>> -> memref<640x128xf32, #tpu.memory_space<vmem_shared>>
        tpu.wait_dma2 semaphore(%run_scoped3A : memref<!tpu.dma_semaphore, #tpu.memory_space<semaphore_mem>>) src(%arg3 : memref<640x128xf32, #tpu.memory_space<hbm>>) dst(%dma_wait3A_23 : memref<640x128xf32, #tpu.memory_space<vmem_shared>>)
        tpu.yield
      }) : () -> ()
    } else {
    }
    %barrier3A = arith.constant 0 : index
    tpu.barrier barrier_id(%barrier3A)
    %scan3A = arith.constant 0 : i32
    %scan3A_7 = arith.constant 0 : i32
    %scan3A_8 = arith.constant 10 : i32
    %scan3A_9 = arith.addi %scan3A_7, %scan3A_8 : i32
    %scan3A_10 = arith.constant 1 : i32
    scf.for %scan3A_20 = %scan3A_7 to %scan3A_9 step %scan3A_10  : i32 {
      %mul3A_21 = arith.constant 10 : i32
      %mul3A_22 = arith.muli %add3A, %mul3A_21 : i32
      %add3A_23 = arith.addi %mul3A_22, %scan3A_20 : i32
      "tpu.region"() ({
        %run_scoped3A = tpu.sem_alloc : memref<!tpu.dma_semaphore, #tpu.memory_space<semaphore_mem>>
        %dma_start3A_67 = arith.constant 0 : i32
        %dma_start3A_68 = arith.constant 0 : i32
        %dma_start3A_69 = tpu.memref_slice %arg4[%add3A_23, %dma_start3A_67, %dma_start3A_68] : memref<320x8x128xi32, #tpu.memory_space<hbm>> -> memref<1x8x128xi32, #tpu.memory_space<hbm>>
        %dma_start3A_70 = tpu.memref_squeeze %dma_start3A_69 : memref<1x8x128xi32, #tpu.memory_space<hbm>> -> memref<8x128xi32, #tpu.memory_space<hbm>>
        %dma_start3A_71 = arith.constant 0 : i32
        %dma_start3A_72 = arith.constant 0 : i32
        %dma_start3A_73 = tpu.memref_slice %arg4[%add3A_23, %dma_start3A_71, %dma_start3A_72] : memref<320x8x128xi32, #tpu.memory_space<hbm>> -> memref<1x8x128xi32, #tpu.memory_space<hbm>>
        %dma_start3A_74 = tpu.memref_squeeze %dma_start3A_73 : memref<1x8x128xi32, #tpu.memory_space<hbm>> -> memref<8x128xi32, #tpu.memory_space<hbm>>
        tpu.enqueue_dma source(%dma_start3A_74 : memref<8x128xi32, #tpu.memory_space<hbm>>) target(%arg7 : memref<8x128xi32, #tpu.memory_space<vmem>>) target_semaphore(%run_scoped3A : memref<!tpu.dma_semaphore, #tpu.memory_space<semaphore_mem>>)
        %dma_wait3A_75 = arith.constant 0 : i32
        %dma_wait3A_76 = arith.constant 0 : i32
        %dma_wait3A_77 = tpu.memref_slice %arg4[%add3A_23, %dma_wait3A_75, %dma_wait3A_76] : memref<320x8x128xi32, #tpu.memory_space<hbm>> -> memref<1x8x128xi32, #tpu.memory_space<hbm>>
        %dma_wait3A_78 = tpu.memref_squeeze %dma_wait3A_77 : memref<1x8x128xi32, #tpu.memory_space<hbm>> -> memref<8x128xi32, #tpu.memory_space<hbm>>
        %dma_wait3A_79 = arith.constant 0 : i32
        %dma_wait3A_80 = arith.constant 0 : i32
        %dma_wait3A_81 = tpu.memref_slice %arg4[%add3A_23, %dma_wait3A_79, %dma_wait3A_80] : memref<320x8x128xi32, #tpu.memory_space<hbm>> -> memref<1x8x128xi32, #tpu.memory_space<hbm>>
        %dma_wait3A_82 = tpu.memref_squeeze %dma_wait3A_81 : memref<1x8x128xi32, #tpu.memory_space<hbm>> -> memref<8x128xi32, #tpu.memory_space<hbm>>
        tpu.wait_dma2 semaphore(%run_scoped3A : memref<!tpu.dma_semaphore, #tpu.memory_space<semaphore_mem>>) src(%dma_wait3A_82 : memref<8x128xi32, #tpu.memory_space<hbm>>) dst(%arg7 : memref<8x128xi32, #tpu.memory_space<vmem>>)
        tpu.yield
      }) : () -> ()
      %mul3A_24 = arith.constant 10 : i32
      %mul3A_25 = arith.muli %add3A, %mul3A_24 : i32
      %add3A_26 = arith.addi %mul3A_25, %scan3A_20 : i32
      "tpu.region"() ({
        %run_scoped3A = tpu.sem_alloc : memref<!tpu.dma_semaphore, #tpu.memory_space<semaphore_mem>>
        %dma_start3A_67 = arith.constant 0 : i32
        %dma_start3A_68 = arith.constant 0 : i32
        %dma_start3A_69 = tpu.memref_slice %arg5[%add3A_26, %dma_start3A_67, %dma_start3A_68] : memref<320x8x128xi32, #tpu.memory_space<hbm>> -> memref<1x8x128xi32, #tpu.memory_space<hbm>>
        %dma_start3A_70 = tpu.memref_squeeze %dma_start3A_69 : memref<1x8x128xi32, #tpu.memory_space<hbm>> -> memref<8x128xi32, #tpu.memory_space<hbm>>
        %dma_start3A_71 = arith.constant 0 : i32
        %dma_start3A_72 = arith.constant 0 : i32
        %dma_start3A_73 = tpu.memref_slice %arg5[%add3A_26, %dma_start3A_71, %dma_start3A_72] : memref<320x8x128xi32, #tpu.memory_space<hbm>> -> memref<1x8x128xi32, #tpu.memory_space<hbm>>
        %dma_start3A_74 = tpu.memref_squeeze %dma_start3A_73 : memref<1x8x128xi32, #tpu.memory_space<hbm>> -> memref<8x128xi32, #tpu.memory_space<hbm>>
        tpu.enqueue_dma source(%dma_start3A_74 : memref<8x128xi32, #tpu.memory_space<hbm>>) target(%arg8 : memref<8x128xi32, #tpu.memory_space<vmem>>) target_semaphore(%run_scoped3A : memref<!tpu.dma_semaphore, #tpu.memory_space<semaphore_mem>>)
        %dma_wait3A_75 = arith.constant 0 : i32
        %dma_wait3A_76 = arith.constant 0 : i32
        %dma_wait3A_77 = tpu.memref_slice %arg5[%add3A_26, %dma_wait3A_75, %dma_wait3A_76] : memref<320x8x128xi32, #tpu.memory_space<hbm>> -> memref<1x8x128xi32, #tpu.memory_space<hbm>>
        %dma_wait3A_78 = tpu.memref_squeeze %dma_wait3A_77 : memref<1x8x128xi32, #tpu.memory_space<hbm>> -> memref<8x128xi32, #tpu.memory_space<hbm>>
        %dma_wait3A_79 = arith.constant 0 : i32
        %dma_wait3A_80 = arith.constant 0 : i32
        %dma_wait3A_81 = tpu.memref_slice %arg5[%add3A_26, %dma_wait3A_79, %dma_wait3A_80] : memref<320x8x128xi32, #tpu.memory_space<hbm>> -> memref<1x8x128xi32, #tpu.memory_space<hbm>>
        %dma_wait3A_82 = tpu.memref_squeeze %dma_wait3A_81 : memref<1x8x128xi32, #tpu.memory_space<hbm>> -> memref<8x128xi32, #tpu.memory_space<hbm>>
        tpu.wait_dma2 semaphore(%run_scoped3A : memref<!tpu.dma_semaphore, #tpu.memory_space<semaphore_mem>>) src(%dma_wait3A_82 : memref<8x128xi32, #tpu.memory_space<hbm>>) dst(%arg8 : memref<8x128xi32, #tpu.memory_space<vmem>>)
        tpu.yield
      }) : () -> ()
      %dma_start3A = arith.constant 0 : i32
      %dma_start3A_27 = arith.constant 0 : i32
      %dma_start3A_28 = arith.constant 0 : i32
      %dma_start3A_29 = arith.constant 0 : i32
      %dma_start3A_30 = tpu.memref_slice %arg9[%dma_start3A_27, %dma_start3A_28, %dma_start3A_29] : memref<2x128x128xf32, #tpu.memory_space<vmem>> -> memref<1x128x128xf32, #tpu.memory_space<vmem>>
      %dma_start3A_31 = tpu.memref_squeeze %dma_start3A_30 : memref<1x128x128xf32, #tpu.memory_space<vmem>> -> memref<128x128xf32, #tpu.memory_space<vmem>>
      %dma_start3A_32 = arith.constant 0 : i32
      %dma_start3A_33 = tpu.memref_slice %arg7[%dma_start3A, %dma_start3A_32] : memref<8x128xi32, #tpu.memory_space<vmem>> -> memref<1x128xi32, #tpu.memory_space<vmem>>
      %dma_start3A_34 = tpu.memref_squeeze %dma_start3A_33 : memref<1x128xi32, #tpu.memory_space<vmem>> -> memref<128xi32, #tpu.memory_space<vmem>>
      %dma_start3A_35 = arith.constant 0 : i32
      %dma_start3A_36 = arith.constant 0 : i32
      %dma_start3A_37 = tpu.memref_slice %arg2[%dma_start3A_35, %dma_start3A_36] : memref<10240x128xf32, #tpu.memory_space<hbm>> -> memref<10240x128xf32, #tpu.memory_space<hbm>>
      tpu.enqueue_indirect_dma source(%dma_start3A_37 : memref<10240x128xf32, #tpu.memory_space<hbm>>) target(%dma_start3A_31 : memref<128x128xf32, #tpu.memory_space<vmem>>) offsets(%dma_start3A_34 : memref<128xi32, #tpu.memory_space<vmem>>) semaphore(%arg11 : memref<!tpu.dma_semaphore, #tpu.memory_space<semaphore_mem>>)
      %scan3A_38 = arith.constant 0 : i32
      %scan3A_39 = arith.constant 0 : i32
      %scan3A_40 = arith.constant 8 : i32
      %scan3A_41 = arith.addi %scan3A_39, %scan3A_40 : i32
      %scan3A_42 = arith.constant 1 : i32
      scf.for %scan3A_67 = %scan3A_39 to %scan3A_41 step %scan3A_42  : i32 {
        %add3A_68 = arith.constant 1 : i32
        %add3A_69 = arith.addi %scan3A_67, %add3A_68 : i32
        %lt3A = arith.constant 8 : i32
        %lt3A_70 = arith.cmpi slt, %add3A_69, %lt3A : i32
        %convert_element_type3A_71 = arith.extui %lt3A_70 : i1 to i32
        %cond3A_72 = arith.constant 0 : i32
        %cond3A_73 = arith.cmpi ne, %convert_element_type3A_71, %cond3A_72 : i32
        scf.if %cond3A_73 {
          %ge3A = arith.constant 1 : i32
          %ge3A_97 = arith.cmpi sge, %scan3A_67, %ge3A : i32
          %convert_element_type3A_98 = arith.extui %ge3A_97 : i1 to i32
          %cond3A_99 = arith.constant 0 : i32
          %cond3A_100 = arith.cmpi ne, %convert_element_type3A_98, %cond3A_99 : i32
          scf.if %cond3A_100 {
            %rem3A_113 = arith.constant 2 : i32
            %rem3A_114 = arith.remsi %add3A_69, %rem3A_113 : i32
            %dma_wait3A_115 = arith.constant 0 : i32
            %dma_wait3A_116 = arith.constant 0 : i32
            %dma_wait3A_117 = arith.constant 0 : i32
            %dma_wait3A_118 = tpu.memref_slice %arg9[%rem3A_114, %dma_wait3A_116, %dma_wait3A_117] : memref<2x128x128xf32, #tpu.memory_space<vmem>> -> memref<1x128x128xf32, #tpu.memory_space<vmem>>
            %dma_wait3A_119 = tpu.memref_squeeze %dma_wait3A_118 : memref<1x128x128xf32, #tpu.memory_space<vmem>> -> memref<128x128xf32, #tpu.memory_space<vmem>>
            %dma_wait3A_120 = arith.constant 0 : i32
            %dma_wait3A_121 = tpu.memref_slice %arg8[%dma_wait3A_115, %dma_wait3A_120] : memref<8x128xi32, #tpu.memory_space<vmem>> -> memref<1x128xi32, #tpu.memory_space<vmem>>
            %dma_wait3A_122 = tpu.memref_squeeze %dma_wait3A_121 : memref<1x128xi32, #tpu.memory_space<vmem>> -> memref<128xi32, #tpu.memory_space<vmem>>
            %dma_wait3A_123 = arith.constant 0 : i32
            %dma_wait3A_124 = arith.constant 0 : i32
            %dma_wait3A_125 = tpu.memref_slice %arg10[%dma_wait3A_123, %dma_wait3A_124] : memref<10240x128xf32, #tpu.memory_space<vmem_shared>> -> memref<10240x128xf32, #tpu.memory_space<vmem_shared>>
            tpu.wait_indirect_dma semaphore(%arg12 : memref<!tpu.dma_semaphore, #tpu.memory_space<semaphore_mem>>) src(%dma_wait3A_119 : memref<128x128xf32, #tpu.memory_space<vmem>>) dst(%dma_wait3A_125 : memref<10240x128xf32, #tpu.memory_space<vmem_shared>>)
          } else {
          }
          %rem3A_101 = arith.constant 2 : i32
          %rem3A_102 = arith.remsi %add3A_69, %rem3A_101 : i32
          %dma_start3A_103 = arith.constant 0 : i32
          %dma_start3A_104 = arith.constant 0 : i32
          %dma_start3A_105 = tpu.memref_slice %arg9[%rem3A_102, %dma_start3A_103, %dma_start3A_104] : memref<2x128x128xf32, #tpu.memory_space<vmem>> -> memref<1x128x128xf32, #tpu.memory_space<vmem>>
          %dma_start3A_106 = tpu.memref_squeeze %dma_start3A_105 : memref<1x128x128xf32, #tpu.memory_space<vmem>> -> memref<128x128xf32, #tpu.memory_space<vmem>>
          %dma_start3A_107 = arith.constant 0 : i32
          %dma_start3A_108 = tpu.memref_slice %arg7[%add3A_69, %dma_start3A_107] : memref<8x128xi32, #tpu.memory_space<vmem>> -> memref<1x128xi32, #tpu.memory_space<vmem>>
          %dma_start3A_109 = tpu.memref_squeeze %dma_start3A_108 : memref<1x128xi32, #tpu.memory_space<vmem>> -> memref<128xi32, #tpu.memory_space<vmem>>
          %dma_start3A_110 = arith.constant 0 : i32
          %dma_start3A_111 = arith.constant 0 : i32
          %dma_start3A_112 = tpu.memref_slice %arg2[%dma_start3A_110, %dma_start3A_111] : memref<10240x128xf32, #tpu.memory_space<hbm>> -> memref<10240x128xf32, #tpu.memory_space<hbm>>
          tpu.enqueue_indirect_dma source(%dma_start3A_112 : memref<10240x128xf32, #tpu.memory_space<hbm>>) target(%dma_start3A_106 : memref<128x128xf32, #tpu.memory_space<vmem>>) offsets(%dma_start3A_109 : memref<128xi32, #tpu.memory_space<vmem>>) semaphore(%arg11 : memref<!tpu.dma_semaphore, #tpu.memory_space<semaphore_mem>>)
        } else {
        }
        %rem3A = arith.constant 2 : i32
        %rem3A_74 = arith.remsi %scan3A_67, %rem3A : i32
        %dma_wait3A_75 = arith.constant 0 : i32
        %dma_wait3A_76 = arith.constant 0 : i32
        %dma_wait3A_77 = tpu.memref_slice %arg9[%rem3A_74, %dma_wait3A_75, %dma_wait3A_76] : memref<2x128x128xf32, #tpu.memory_space<vmem>> -> memref<1x128x128xf32, #tpu.memory_space<vmem>>
        %dma_wait3A_78 = tpu.memref_squeeze %dma_wait3A_77 : memref<1x128x128xf32, #tpu.memory_space<vmem>> -> memref<128x128xf32, #tpu.memory_space<vmem>>
        %dma_wait3A_79 = arith.constant 0 : i32
        %dma_wait3A_80 = tpu.memref_slice %arg7[%scan3A_67, %dma_wait3A_79] : memref<8x128xi32, #tpu.memory_space<vmem>> -> memref<1x128xi32, #tpu.memory_space<vmem>>
        %dma_wait3A_81 = tpu.memref_squeeze %dma_wait3A_80 : memref<1x128xi32, #tpu.memory_space<vmem>> -> memref<128xi32, #tpu.memory_space<vmem>>
        %dma_wait3A_82 = arith.constant 0 : i32
        %dma_wait3A_83 = arith.constant 0 : i32
        %dma_wait3A_84 = tpu.memref_slice %arg2[%dma_wait3A_82, %dma_wait3A_83] : memref<10240x128xf32, #tpu.memory_space<hbm>> -> memref<10240x128xf32, #tpu.memory_space<hbm>>
        tpu.wait_indirect_dma semaphore(%arg11 : memref<!tpu.dma_semaphore, #tpu.memory_space<semaphore_mem>>) src(%dma_wait3A_84 : memref<10240x128xf32, #tpu.memory_space<hbm>>) dst(%dma_wait3A_78 : memref<128x128xf32, #tpu.memory_space<vmem>>)
        %rem3A_85 = arith.constant 2 : i32
        %rem3A_86 = arith.remsi %scan3A_67, %rem3A_85 : i32
        %dma_start3A_87 = arith.constant 0 : i32
        %dma_start3A_88 = arith.constant 0 : i32
        %dma_start3A_89 = tpu.memref_slice %arg9[%rem3A_86, %dma_start3A_87, %dma_start3A_88] : memref<2x128x128xf32, #tpu.memory_space<vmem>> -> memref<1x128x128xf32, #tpu.memory_space<vmem>>
        %dma_start3A_90 = tpu.memref_squeeze %dma_start3A_89 : memref<1x128x128xf32, #tpu.memory_space<vmem>> -> memref<128x128xf32, #tpu.memory_space<vmem>>
        %dma_start3A_91 = arith.constant 0 : i32
        %dma_start3A_92 = tpu.memref_slice %arg8[%scan3A_67, %dma_start3A_91] : memref<8x128xi32, #tpu.memory_space<vmem>> -> memref<1x128xi32, #tpu.memory_space<vmem>>
        %dma_start3A_93 = tpu.memref_squeeze %dma_start3A_92 : memref<1x128xi32, #tpu.memory_space<vmem>> -> memref<128xi32, #tpu.memory_space<vmem>>
        %dma_start3A_94 = arith.constant 0 : i32
        %dma_start3A_95 = arith.constant 0 : i32
        %dma_start3A_96 = tpu.memref_slice %arg10[%dma_start3A_94, %dma_start3A_95] : memref<10240x128xf32, #tpu.memory_space<vmem_shared>> -> memref<10240x128xf32, #tpu.memory_space<vmem_shared>>
        tpu.enqueue_indirect_dma source(%dma_start3A_90 : memref<128x128xf32, #tpu.memory_space<vmem>>) target(%dma_start3A_96 : memref<10240x128xf32, #tpu.memory_space<vmem_shared>>) offsets(%dma_start3A_93 : memref<128xi32, #tpu.memory_space<vmem>>) semaphore(%arg12 : memref<!tpu.dma_semaphore, #tpu.memory_space<semaphore_mem>>) {add = true}
      }
      %scan3A_43 = arith.constant 8 : i32
      %dma_wait3A = arith.constant 0 : i32
      %dma_wait3A_44 = arith.constant 0 : i32
      %dma_wait3A_45 = arith.constant 0 : i32
      %dma_wait3A_46 = arith.constant 0 : i32
      %dma_wait3A_47 = tpu.memref_slice %arg9[%dma_wait3A, %dma_wait3A_45, %dma_wait3A_46] : memref<2x128x128xf32, #tpu.memory_space<vmem>> -> memref<1x128x128xf32, #tpu.memory_space<vmem>>
      %dma_wait3A_48 = tpu.memref_squeeze %dma_wait3A_47 : memref<1x128x128xf32, #tpu.memory_space<vmem>> -> memref<128x128xf32, #tpu.memory_space<vmem>>
      %dma_wait3A_49 = arith.constant 0 : i32
      %dma_wait3A_50 = tpu.memref_slice %arg8[%dma_wait3A_44, %dma_wait3A_49] : memref<8x128xi32, #tpu.memory_space<vmem>> -> memref<1x128xi32, #tpu.memory_space<vmem>>
      %dma_wait3A_51 = tpu.memref_squeeze %dma_wait3A_50 : memref<1x128xi32, #tpu.memory_space<vmem>> -> memref<128xi32, #tpu.memory_space<vmem>>
      %dma_wait3A_52 = arith.constant 0 : i32
      %dma_wait3A_53 = arith.constant 0 : i32
      %dma_wait3A_54 = tpu.memref_slice %arg10[%dma_wait3A_52, %dma_wait3A_53] : memref<10240x128xf32, #tpu.memory_space<vmem_shared>> -> memref<10240x128xf32, #tpu.memory_space<vmem_shared>>
      tpu.wait_indirect_dma semaphore(%arg12 : memref<!tpu.dma_semaphore, #tpu.memory_space<semaphore_mem>>) src(%dma_wait3A_48 : memref<128x128xf32, #tpu.memory_space<vmem>>) dst(%dma_wait3A_54 : memref<10240x128xf32, #tpu.memory_space<vmem_shared>>)
      %dma_wait3A_55 = arith.constant 1 : i32
      %dma_wait3A_56 = arith.constant 0 : i32
      %dma_wait3A_57 = arith.constant 0 : i32
      %dma_wait3A_58 = arith.constant 0 : i32
      %dma_wait3A_59 = tpu.memref_slice %arg9[%dma_wait3A_55, %dma_wait3A_57, %dma_wait3A_58] : memref<2x128x128xf32, #tpu.memory_space<vmem>> -> memref<1x128x128xf32, #tpu.memory_space<vmem>>
      %dma_wait3A_60 = tpu.memref_squeeze %dma_wait3A_59 : memref<1x128x128xf32, #tpu.memory_space<vmem>> -> memref<128x128xf32, #tpu.memory_space<vmem>>
      %dma_wait3A_61 = arith.constant 0 : i32
      %dma_wait3A_62 = tpu.memref_slice %arg8[%dma_wait3A_56, %dma_wait3A_61] : memref<8x128xi32, #tpu.memory_space<vmem>> -> memref<1x128xi32, #tpu.memory_space<vmem>>
      %dma_wait3A_63 = tpu.memref_squeeze %dma_wait3A_62 : memref<1x128xi32, #tpu.memory_space<vmem>> -> memref<128xi32, #tpu.memory_space<vmem>>
      %dma_wait3A_64 = arith.constant 0 : i32
      %dma_wait3A_65 = arith.constant 0 : i32
      %dma_wait3A_66 = tpu.memref_slice %arg10[%dma_wait3A_64, %dma_wait3A_65] : memref<10240x128xf32, #tpu.memory_space<vmem_shared>> -> memref<10240x128xf32, #tpu.memory_space<vmem_shared>>
      tpu.wait_indirect_dma semaphore(%arg12 : memref<!tpu.dma_semaphore, #tpu.memory_space<semaphore_mem>>) src(%dma_wait3A_60 : memref<128x128xf32, #tpu.memory_space<vmem>>) dst(%dma_wait3A_66 : memref<10240x128xf32, #tpu.memory_space<vmem_shared>>)
    }
    %scan3A_11 = arith.constant 10 : i32
    %barrier3A_12 = arith.constant 0 : index
    tpu.barrier barrier_id(%barrier3A_12)
    %mul3A_13 = arith.constant 640 : i32
    %mul3A_14 = arith.muli %arg1, %mul3A_13 : i32
    %mul3A_15 = arith.constant 10240 : i32
    %mul3A_16 = arith.muli %arg0, %mul3A_15 : i32
    %mul3A_17 = arith.constant 640 : i32
    %mul3A_18 = arith.muli %arg1, %mul3A_17 : i32
    %add3A_19 = arith.addi %mul3A_16, %mul3A_18 : i32
    "tpu.region"() ({
      %run_scoped3A = tpu.sem_alloc : memref<!tpu.dma_semaphore, #tpu.memory_space<semaphore_mem>>
      %dma_start3A = arith.constant 0 : i32
      %dma_start3A_20 = tpu.memref_slice %arg6[%add3A_19, %dma_start3A] : memref<20480x128xf32, #tpu.memory_space<hbm>> -> memref<640x128xf32, #tpu.memory_space<hbm>>
      %dma_start3A_21 = arith.constant 0 : i32
      %dma_start3A_22 = tpu.memref_slice %arg10[%mul3A_14, %dma_start3A_21] : memref<10240x128xf32, #tpu.memory_space<vmem_shared>> -> memref<640x128xf32, #tpu.memory_space<vmem_shared>>
      tpu.enqueue_dma source(%dma_start3A_22 : memref<640x128xf32, #tpu.memory_space<vmem_shared>>) target(%dma_start3A_20 : memref<640x128xf32, #tpu.memory_space<hbm>>) target_semaphore(%run_scoped3A : memref<!tpu.dma_semaphore, #tpu.memory_space<semaphore_mem>>)
      %dma_wait3A = arith.constant 0 : i32
      %dma_wait3A_23 = tpu.memref_slice %arg6[%add3A_19, %dma_wait3A] : memref<20480x128xf32, #tpu.memory_space<hbm>> -> memref<640x128xf32, #tpu.memory_space<hbm>>
      %dma_wait3A_24 = arith.constant 0 : i32
      %dma_wait3A_25 = tpu.memref_slice %arg10[%mul3A_14, %dma_wait3A_24] : memref<10240x128xf32, #tpu.memory_space<vmem_shared>> -> memref<640x128xf32, #tpu.memory_space<vmem_shared>>
      tpu.wait_dma2 semaphore(%run_scoped3A : memref<!tpu.dma_semaphore, #tpu.memory_space<semaphore_mem>>) src(%dma_wait3A_25 : memref<640x128xf32, #tpu.memory_space<vmem_shared>>) dst(%dma_wait3A_23 : memref<640x128xf32, #tpu.memory_space<hbm>>)
      tpu.yield
    }) : () -> ()
    return
  }
}

#map = affine_map<(d0, d1) -> (0, 0, 0)>
#map1 = affine_map<(d0, d1) -> (0)>
module attributes {stable_mosaic.version = 14 : i64} {
  func.func @_deg_kernel(%arg0: i32, %arg1: i32, %arg2: memref<32x80x128xi32, #tpu.memory_space<hbm>>, %arg3: memref<128xf32, #tpu.memory_space<hbm>>, %arg4: memref<640xf32, #tpu.memory_space<hbm>>, %arg5: memref<20480xf32, #tpu.memory_space<hbm>>, %arg6: memref<80x128xi32, #tpu.memory_space<vmem>>, %arg7: memref<128xf32, #tpu.memory_space<vmem>>, %arg8: memref<10240xf32, #tpu.memory_space<vmem_shared>>, %arg9: memref<!tpu.dma_semaphore, #tpu.memory_space<semaphore_mem>>) attributes {dimension_semantics = [#tpu.dimension_semantics<core_parallel>, #tpu.dimension_semantics<subcore_parallel>], iteration_bounds = array<i64: 2, 16>, scalar_prefetch = 0 : i64, scratch_operands = 4 : i64, tpu.core_type = #tpu.core_type<sc_vector_subcore>, window_params = [{transform_indices = #map}, {transform_indices = #map1}, {transform_indices = #map1}, {transform_indices = #map1}]} {
    %mul3A = arith.constant 16 : i32
    %mul3A_0 = arith.muli %arg0, %mul3A : i32
    %add3A = arith.addi %mul3A_0, %arg1 : i32
    %mul3A_1 = arith.constant 640 : i32
    %mul3A_2 = arith.muli %arg1, %mul3A_1 : i32
    "tpu.region"() ({
      %run_scoped3A = tpu.sem_alloc : memref<!tpu.dma_semaphore, #tpu.memory_space<semaphore_mem>>
      %dma_start3A = tpu.memref_slice %arg8[%mul3A_2] : memref<10240xf32, #tpu.memory_space<vmem_shared>> -> memref<640xf32, #tpu.memory_space<vmem_shared>>
      tpu.enqueue_dma source(%arg4 : memref<640xf32, #tpu.memory_space<hbm>>) target(%dma_start3A : memref<640xf32, #tpu.memory_space<vmem_shared>>) target_semaphore(%run_scoped3A : memref<!tpu.dma_semaphore, #tpu.memory_space<semaphore_mem>>)
      %dma_wait3A = tpu.memref_slice %arg8[%mul3A_2] : memref<10240xf32, #tpu.memory_space<vmem_shared>> -> memref<640xf32, #tpu.memory_space<vmem_shared>>
      tpu.wait_dma2 semaphore(%run_scoped3A : memref<!tpu.dma_semaphore, #tpu.memory_space<semaphore_mem>>) src(%arg4 : memref<640xf32, #tpu.memory_space<hbm>>) dst(%dma_wait3A : memref<640xf32, #tpu.memory_space<vmem_shared>>)
      tpu.yield
    }) : () -> ()
    "tpu.region"() ({
      %run_scoped3A = tpu.sem_alloc : memref<!tpu.dma_semaphore, #tpu.memory_space<semaphore_mem>>
      %dma_start3A = arith.constant 0 : i32
      %dma_start3A_16 = arith.constant 0 : i32
      %dma_start3A_17 = tpu.memref_slice %arg2[%add3A, %dma_start3A, %dma_start3A_16] : memref<32x80x128xi32, #tpu.memory_space<hbm>> -> memref<1x80x128xi32, #tpu.memory_space<hbm>>
      %dma_start3A_18 = tpu.memref_squeeze %dma_start3A_17 : memref<1x80x128xi32, #tpu.memory_space<hbm>> -> memref<80x128xi32, #tpu.memory_space<hbm>>
      %dma_start3A_19 = arith.constant 0 : i32
      %dma_start3A_20 = arith.constant 0 : i32
      %dma_start3A_21 = tpu.memref_slice %arg2[%add3A, %dma_start3A_19, %dma_start3A_20] : memref<32x80x128xi32, #tpu.memory_space<hbm>> -> memref<1x80x128xi32, #tpu.memory_space<hbm>>
      %dma_start3A_22 = tpu.memref_squeeze %dma_start3A_21 : memref<1x80x128xi32, #tpu.memory_space<hbm>> -> memref<80x128xi32, #tpu.memory_space<hbm>>
      tpu.enqueue_dma source(%dma_start3A_22 : memref<80x128xi32, #tpu.memory_space<hbm>>) target(%arg6 : memref<80x128xi32, #tpu.memory_space<vmem>>) target_semaphore(%run_scoped3A : memref<!tpu.dma_semaphore, #tpu.memory_space<semaphore_mem>>)
      %dma_wait3A = arith.constant 0 : i32
      %dma_wait3A_23 = arith.constant 0 : i32
      %dma_wait3A_24 = tpu.memref_slice %arg2[%add3A, %dma_wait3A, %dma_wait3A_23] : memref<32x80x128xi32, #tpu.memory_space<hbm>> -> memref<1x80x128xi32, #tpu.memory_space<hbm>>
      %dma_wait3A_25 = tpu.memref_squeeze %dma_wait3A_24 : memref<1x80x128xi32, #tpu.memory_space<hbm>> -> memref<80x128xi32, #tpu.memory_space<hbm>>
      %dma_wait3A_26 = arith.constant 0 : i32
      %dma_wait3A_27 = arith.constant 0 : i32
      %dma_wait3A_28 = tpu.memref_slice %arg2[%add3A, %dma_wait3A_26, %dma_wait3A_27] : memref<32x80x128xi32, #tpu.memory_space<hbm>> -> memref<1x80x128xi32, #tpu.memory_space<hbm>>
      %dma_wait3A_29 = tpu.memref_squeeze %dma_wait3A_28 : memref<1x80x128xi32, #tpu.memory_space<hbm>> -> memref<80x128xi32, #tpu.memory_space<hbm>>
      tpu.wait_dma2 semaphore(%run_scoped3A : memref<!tpu.dma_semaphore, #tpu.memory_space<semaphore_mem>>) src(%dma_wait3A_29 : memref<80x128xi32, #tpu.memory_space<hbm>>) dst(%arg6 : memref<80x128xi32, #tpu.memory_space<vmem>>)
      tpu.yield
    }) : () -> ()
    "tpu.region"() ({
      %run_scoped3A = tpu.sem_alloc : memref<!tpu.dma_semaphore, #tpu.memory_space<semaphore_mem>>
      tpu.enqueue_dma source(%arg3 : memref<128xf32, #tpu.memory_space<hbm>>) target(%arg7 : memref<128xf32, #tpu.memory_space<vmem>>) target_semaphore(%run_scoped3A : memref<!tpu.dma_semaphore, #tpu.memory_space<semaphore_mem>>)
      tpu.wait_dma2 semaphore(%run_scoped3A : memref<!tpu.dma_semaphore, #tpu.memory_space<semaphore_mem>>) src(%arg3 : memref<128xf32, #tpu.memory_space<hbm>>) dst(%arg7 : memref<128xf32, #tpu.memory_space<vmem>>)
      tpu.yield
    }) : () -> ()
    %barrier3A = arith.constant 0 : index
    tpu.barrier barrier_id(%barrier3A)
    %scan3A = arith.constant 0 : i32
    %scan3A_3 = arith.constant 0 : i32
    %scan3A_4 = arith.constant 5 : i32
    %scan3A_5 = arith.addi %scan3A_3, %scan3A_4 : i32
    %scan3A_6 = arith.constant 1 : i32
    scf.for %scan3A_16 = %scan3A_3 to %scan3A_5 step %scan3A_6  : i32 {
      %scan3A_17 = arith.constant 0 : i32
      %scan3A_18 = arith.constant 0 : i32
      %scan3A_19 = arith.constant 16 : i32
      %scan3A_20 = arith.addi %scan3A_18, %scan3A_19 : i32
      %scan3A_21 = arith.constant 1 : i32
      scf.for %scan3A_29 = %scan3A_18 to %scan3A_20 step %scan3A_21  : i32 {
        %mul3A_30 = arith.constant 16 : i32
        %mul3A_31 = arith.muli %scan3A_16, %mul3A_30 : i32
        %add3A_32 = arith.addi %mul3A_31, %scan3A_29 : i32
        %dma_start3A = arith.constant 0 : i32
        %dma_start3A_33 = tpu.memref_slice %arg6[%add3A_32, %dma_start3A] : memref<80x128xi32, #tpu.memory_space<vmem>> -> memref<1x128xi32, #tpu.memory_space<vmem>>
        %dma_start3A_34 = tpu.memref_squeeze %dma_start3A_33 : memref<1x128xi32, #tpu.memory_space<vmem>> -> memref<128xi32, #tpu.memory_space<vmem>>
        %dma_start3A_35 = arith.constant 0 : i32
        %dma_start3A_36 = tpu.memref_slice %arg8[%dma_start3A_35] : memref<10240xf32, #tpu.memory_space<vmem_shared>> -> memref<10240xf32, #tpu.memory_space<vmem_shared>>
        tpu.enqueue_indirect_dma source(%arg7 : memref<128xf32, #tpu.memory_space<vmem>>) target(%dma_start3A_36 : memref<10240xf32, #tpu.memory_space<vmem_shared>>) offsets(%dma_start3A_34 : memref<128xi32, #tpu.memory_space<vmem>>) semaphore(%arg9 : memref<!tpu.dma_semaphore, #tpu.memory_space<semaphore_mem>>) {add = true}
      }
      %scan3A_22 = arith.constant 16 : i32
      %scan3A_23 = arith.constant 0 : i32
      %scan3A_24 = arith.constant 0 : i32
      %scan3A_25 = arith.constant 16 : i32
      %scan3A_26 = arith.addi %scan3A_24, %scan3A_25 : i32
      %scan3A_27 = arith.constant 1 : i32
      scf.for %scan3A_29 = %scan3A_24 to %scan3A_26 step %scan3A_27  : i32 {
        %dma_wait3A = arith.constant 0 : i32
        %dma_wait3A_30 = arith.constant 0 : i32
        %dma_wait3A_31 = tpu.memref_slice %arg6[%dma_wait3A, %dma_wait3A_30] : memref<80x128xi32, #tpu.memory_space<vmem>> -> memref<1x128xi32, #tpu.memory_space<vmem>>
        %dma_wait3A_32 = tpu.memref_squeeze %dma_wait3A_31 : memref<1x128xi32, #tpu.memory_space<vmem>> -> memref<128xi32, #tpu.memory_space<vmem>>
        %dma_wait3A_33 = arith.constant 0 : i32
        %dma_wait3A_34 = tpu.memref_slice %arg8[%dma_wait3A_33] : memref<10240xf32, #tpu.memory_space<vmem_shared>> -> memref<10240xf32, #tpu.memory_space<vmem_shared>>
        tpu.wait_indirect_dma semaphore(%arg9 : memref<!tpu.dma_semaphore, #tpu.memory_space<semaphore_mem>>) src(%arg7 : memref<128xf32, #tpu.memory_space<vmem>>) dst(%dma_wait3A_34 : memref<10240xf32, #tpu.memory_space<vmem_shared>>)
      }
      %scan3A_28 = arith.constant 16 : i32
    }
    %scan3A_7 = arith.constant 5 : i32
    %barrier3A_8 = arith.constant 0 : index
    tpu.barrier barrier_id(%barrier3A_8)
    %mul3A_9 = arith.constant 640 : i32
    %mul3A_10 = arith.muli %arg1, %mul3A_9 : i32
    %mul3A_11 = arith.constant 10240 : i32
    %mul3A_12 = arith.muli %arg0, %mul3A_11 : i32
    %mul3A_13 = arith.constant 640 : i32
    %mul3A_14 = arith.muli %arg1, %mul3A_13 : i32
    %add3A_15 = arith.addi %mul3A_12, %mul3A_14 : i32
    "tpu.region"() ({
      %run_scoped3A = tpu.sem_alloc : memref<!tpu.dma_semaphore, #tpu.memory_space<semaphore_mem>>
      %dma_start3A = tpu.memref_slice %arg5[%add3A_15] : memref<20480xf32, #tpu.memory_space<hbm>> -> memref<640xf32, #tpu.memory_space<hbm>>
      %dma_start3A_16 = tpu.memref_slice %arg8[%mul3A_10] : memref<10240xf32, #tpu.memory_space<vmem_shared>> -> memref<640xf32, #tpu.memory_space<vmem_shared>>
      tpu.enqueue_dma source(%dma_start3A_16 : memref<640xf32, #tpu.memory_space<vmem_shared>>) target(%dma_start3A : memref<640xf32, #tpu.memory_space<hbm>>) target_semaphore(%run_scoped3A : memref<!tpu.dma_semaphore, #tpu.memory_space<semaphore_mem>>)
      %dma_wait3A = tpu.memref_slice %arg5[%add3A_15] : memref<20480xf32, #tpu.memory_space<hbm>> -> memref<640xf32, #tpu.memory_space<hbm>>
      %dma_wait3A_17 = tpu.memref_slice %arg8[%mul3A_10] : memref<10240xf32, #tpu.memory_space<vmem_shared>> -> memref<640xf32, #tpu.memory_space<vmem_shared>>
      tpu.wait_dma2 semaphore(%run_scoped3A : memref<!tpu.dma_semaphore, #tpu.memory_space<semaphore_mem>>) src(%dma_wait3A_17 : memref<640xf32, #tpu.memory_space<vmem_shared>>) dst(%dma_wait3A : memref<640xf32, #tpu.memory_space<hbm>>)
      tpu.yield
    }) : () -> ()
    return
  }
}

module attributes {stable_mosaic.version = 14 : i64} {
  func.func @_tc1_body(%arg0: i32, %arg1: memref<1024x128xf32, #tpu.memory_space<vmem>>, %arg2: memref<128x128xf32, #tpu.memory_space<vmem>>, %arg3: memref<2x1024xf32, #tpu.memory_space<vmem>>, %arg4: memref<1024x128xf32, #tpu.memory_space<vmem>>, %arg5: memref<1024xf32, #tpu.memory_space<vmem>>) attributes {dimension_semantics = [#tpu.dimension_semantics<arbitrary>], iteration_bounds = array<i64: 10>, scalar_prefetch = 0 : i64, scratch_operands = 0 : i64, tpu.core_type = #tpu.core_type<tc>, window_params = [{transform_indices = @transform_0, window_bounds = array<i64: 1024, 128>}, {pipeline_mode = #tpu.pipeline_mode<synchronous>, transform_indices = @transform_1, window_bounds = array<i64: 128, 128>}, {transform_indices = @transform_2, window_bounds = array<i64: 2, 1024>}, {transform_indices = @transform_3, window_bounds = array<i64: 1024, 128>}, {transform_indices = @transform_4, window_bounds = array<i64: 1024>}]} {
    %get3A = arith.constant 0 : index
    %get3A_0 = arith.constant 0 : index
    %get3A_1 = vector.load %arg3[%get3A, %get3A_0] : memref<2x1024xf32, #tpu.memory_space<vmem>>, vector<1x1024xf32>
    %get3A_2 = vector.shape_cast %get3A_1 : vector<1x1024xf32> to vector<1024xf32>
    %get3A_3 = arith.constant 1 : index
    %get3A_4 = arith.constant 0 : index
    %get3A_5 = vector.load %arg3[%get3A_3, %get3A_4] : memref<2x1024xf32, #tpu.memory_space<vmem>>, vector<1x1024xf32>
    %get3A_6 = vector.shape_cast %get3A_5 : vector<1x1024xf32> to vector<1024xf32>
    %add3A = arith.addf %get3A_2, %get3A_6 : vector<1024xf32>
    %add3A_7 = arith.constant 1.000000e+00 : f32
    %add3A_8 = vector.broadcast %add3A_7 : f32 to vector<1024xf32>
    %add3A_9 = arith.addf %add3A, %add3A_8 : vector<1024xf32>
    %sqrt3A = math.sqrt %add3A_9 : vector<1024xf32>
    %div3A = arith.constant 1.000000e+00 : f32
    %div3A_10 = vector.broadcast %div3A : f32 to vector<1024xf32>
    %div3A_11 = arith.divf %div3A_10, %sqrt3A : vector<1024xf32>
    %get3A_12 = arith.constant 0 : index
    %get3A_13 = arith.constant 0 : index
    %get3A_14 = vector.load %arg1[%get3A_12, %get3A_13] : memref<1024x128xf32, #tpu.memory_space<vmem>>, vector<1024x128xf32>
    %get3A_15 = arith.constant 0 : index
    %get3A_16 = arith.constant 0 : index
    %get3A_17 = vector.load %arg2[%get3A_15, %get3A_16] : memref<128x128xf32, #tpu.memory_space<vmem>>, vector<128x128xf32>
    %dot_general3A = arith.constant dense<0.000000e+00> : vector<1024x128xf32>
    %dot_general3A_18 = tpu.matmul %get3A_14, %get3A_17, %dot_general3A {dimension_numbers = #tpu.dot_dimension_numbers<[1], [0], [0], [1], [0, 0, 1, 1], [], []>, transpose_lhs_hint = false} : vector<1024x128xf32>, vector<128x128xf32>, vector<1024x128xf32> -> vector<1024x128xf32>
    %broadcast_in_dim3A = vector.shape_cast %div3A_11 : vector<1024xf32> to vector<1024x1xf32>
    %mul3A = vector.broadcast %broadcast_in_dim3A : vector<1024x1xf32> to vector<1024x128xf32>
    %mul3A_19 = arith.mulf %dot_general3A_18, %mul3A : vector<1024x128xf32>
    %swap3A = arith.constant 0 : index
    %swap3A_20 = arith.constant 0 : index
    %swap3A_21 = vector.load %arg4[%swap3A, %swap3A_20] : memref<1024x128xf32, #tpu.memory_space<vmem>>, vector<1024x128xf32>
    tpu.vector_store %arg4[%swap3A, %swap3A_20], %mul3A_19 {strides = array<i32>} : memref<1024x128xf32, #tpu.memory_space<vmem>>, vector<1024x128xf32>,
    %swap3A_22 = arith.constant 0 : index
    %swap3A_23 = vector.load %arg5[%swap3A_22] : memref<1024xf32, #tpu.memory_space<vmem>>, vector<1024xf32>
    tpu.vector_store %arg5[%swap3A_22], %div3A_11 {strides = array<i32>} : memref<1024xf32, #tpu.memory_space<vmem>>, vector<1024xf32>,
    return
  }
  func.func @transform_0(%arg0: i32) -> (i32, i32) {
    %c0_i32 = arith.constant 0 : i32
    %c0_i32_0 = arith.constant 0 : i32
    return %arg0, %c0_i32 : i32, i32
  }
  func.func @transform_1(%arg0: i32) -> (i32, i32) {
    %c0_i32 = arith.constant 0 : i32
    %c0_i32_0 = arith.constant 0 : i32
    %c0_i32_1 = arith.constant 0 : i32
    return %c0_i32, %c0_i32_0 : i32, i32
  }
  func.func @transform_2(%arg0: i32) -> (i32, i32) {
    %c0_i32 = arith.constant 0 : i32
    %c0_i32_0 = arith.constant 0 : i32
    return %c0_i32, %arg0 : i32, i32
  }
  func.func @transform_3(%arg0: i32) -> (i32, i32) {
    %c0_i32 = arith.constant 0 : i32
    %c0_i32_0 = arith.constant 0 : i32
    return %arg0, %c0_i32 : i32, i32
  }
  func.func @transform_4(%arg0: i32) -> i32 {
    %c0_i32 = arith.constant 0 : i32
    return %arg0 : i32
  }
}

module attributes {stable_mosaic.version = 14 : i64} {
  func.func @_tc2_body(%arg0: i32, %arg1: memref<2x1024x128xf32, #tpu.memory_space<vmem>>, %arg2: memref<1024xf32, #tpu.memory_space<vmem>>, %arg3: memref<128xf32, #tpu.memory_space<vmem>>, %arg4: memref<128x2xf32, #tpu.memory_space<vmem>>, %arg5: memref<2x1024xf32, #tpu.memory_space<vmem>>) attributes {dimension_semantics = [#tpu.dimension_semantics<arbitrary>], iteration_bounds = array<i64: 10>, scalar_prefetch = 0 : i64, scratch_operands = 0 : i64, tpu.core_type = #tpu.core_type<tc>, window_params = [{transform_indices = @transform_0, window_bounds = array<i64: 2, 1024, 128>}, {transform_indices = @transform_1, window_bounds = array<i64: 1024>}, {pipeline_mode = #tpu.pipeline_mode<synchronous>, transform_indices = @transform_2, window_bounds = array<i64: 128>}, {pipeline_mode = #tpu.pipeline_mode<synchronous>, transform_indices = @transform_3, window_bounds = array<i64: 128, 2>}, {transform_indices = @transform_4, window_bounds = array<i64: 2, 1024>}]} {
    %get3A = arith.constant 0 : index
    %get3A_0 = arith.constant 0 : index
    %get3A_1 = arith.constant 0 : index
    %get3A_2 = vector.load %arg1[%get3A, %get3A_0, %get3A_1] : memref<2x1024x128xf32, #tpu.memory_space<vmem>>, vector<1x1024x128xf32>
    %get3A_3 = vector.shape_cast %get3A_2 : vector<1x1024x128xf32> to vector<1024x128xf32>
    %get3A_4 = arith.constant 1 : index
    %get3A_5 = arith.constant 0 : index
    %get3A_6 = arith.constant 0 : index
    %get3A_7 = vector.load %arg1[%get3A_4, %get3A_5, %get3A_6] : memref<2x1024x128xf32, #tpu.memory_space<vmem>>, vector<1x1024x128xf32>
    %get3A_8 = vector.shape_cast %get3A_7 : vector<1x1024x128xf32> to vector<1024x128xf32>
    %add3A = arith.addf %get3A_3, %get3A_8 : vector<1024x128xf32>
    %get3A_9 = arith.constant 0 : index
    %get3A_10 = vector.load %arg2[%get3A_9] : memref<1024xf32, #tpu.memory_space<vmem>>, vector<1024xf32>
    %broadcast_in_dim3A = vector.shape_cast %get3A_10 : vector<1024xf32> to vector<1024x1xf32>
    %mul3A = vector.broadcast %broadcast_in_dim3A : vector<1024x1xf32> to vector<1024x128xf32>
    %mul3A_11 = arith.mulf %add3A, %mul3A : vector<1024x128xf32>
    %get3A_12 = arith.constant 0 : index
    %get3A_13 = vector.load %arg3[%get3A_12] : memref<128xf32, #tpu.memory_space<vmem>>, vector<128xf32>
    %broadcast_in_dim3A_14 = vector.shape_cast %get3A_13 : vector<128xf32> to vector<1x128xf32>
    %add3A_15 = vector.broadcast %broadcast_in_dim3A_14 : vector<1x128xf32> to vector<1024x128xf32>
    %add3A_16 = arith.addf %mul3A_11, %add3A_15 : vector<1024x128xf32>
    %max3A = arith.constant 0.000000e+00 : f32
    %max3A_17 = vector.broadcast %max3A : f32 to vector<1024x128xf32>
    %max3A_18 = arith.maximumf %add3A_16, %max3A_17 : vector<1024x128xf32>
    %get3A_19 = arith.constant 0 : index
    %get3A_20 = arith.constant 0 : index
    %get3A_21 = vector.load %arg4[%get3A_19, %get3A_20] : memref<128x2xf32, #tpu.memory_space<vmem>>, vector<128x2xf32>
    %dot_general3A = arith.constant dense<0.000000e+00> : vector<2x1024xf32>
    %dot_general3A_22 = tpu.matmul %get3A_21, %max3A_18, %dot_general3A {dimension_numbers = #tpu.dot_dimension_numbers<[0], [1], [1], [0], [0, 1, 1, 0], [], []>, transpose_lhs_hint = false} : vector<128x2xf32>, vector<1024x128xf32>, vector<2x1024xf32> -> vector<2x1024xf32>
    %broadcast_in_dim3A_23 = vector.shape_cast %get3A_10 : vector<1024xf32> to vector<1x1024xf32>
    %mul3A_24 = vector.broadcast %broadcast_in_dim3A_23 : vector<1x1024xf32> to vector<2x1024xf32>
    %mul3A_25 = arith.mulf %dot_general3A_22, %mul3A_24 : vector<2x1024xf32>
    %swap3A = arith.constant 0 : index
    %swap3A_26 = arith.constant 0 : index
    %swap3A_27 = vector.load %arg5[%swap3A, %swap3A_26] : memref<2x1024xf32, #tpu.memory_space<vmem>>, vector<2x1024xf32>
    tpu.vector_store %arg5[%swap3A, %swap3A_26], %mul3A_25 {strides = array<i32>} : memref<2x1024xf32, #tpu.memory_space<vmem>>, vector<2x1024xf32>,
    return
  }
  func.func @transform_0(%arg0: i32) -> (i32, i32, i32) {
    %c0_i32 = arith.constant 0 : i32
    %c0_i32_0 = arith.constant 0 : i32
    %c0_i32_1 = arith.constant 0 : i32
    return %c0_i32, %arg0, %c0_i32_0 : i32, i32, i32
  }
  func.func @transform_1(%arg0: i32) -> i32 {
    %c0_i32 = arith.constant 0 : i32
    return %arg0 : i32
  }
  func.func @transform_2(%arg0: i32) -> i32 {
    %c0_i32 = arith.constant 0 : i32
    %c0_i32_0 = arith.constant 0 : i32
    return %c0_i32 : i32
  }
  func.func @transform_3(%arg0: i32) -> (i32, i32) {
    %c0_i32 = arith.constant 0 : i32
    %c0_i32_0 = arith.constant 0 : i32
    %c0_i32_1 = arith.constant 0 : i32
    return %c0_i32, %c0_i32_0 : i32, i32
  }
  func.func @transform_4(%arg0: i32) -> (i32, i32) {
    %c0_i32 = arith.constant 0 : i32
    %c0_i32_0 = arith.constant 0 : i32
    return %c0_i32, %arg0 : i32, i32
  }
}

module attributes {stable_mosaic.version = 14 : i64} {
  func.func @_tc3_body(%arg0: i32, %arg1: memref<2x2x1024xf32, #tpu.memory_space<vmem>>, %arg2: memref<2x1024xf32, #tpu.memory_space<vmem>>, %arg3: memref<1024xf32, #tpu.memory_space<vmem>>, %arg4: memref<2xf32, #tpu.memory_space<vmem>>, %arg5: memref<2x2xf32, #tpu.memory_space<vmem>>, %arg6: memref<2xf32, #tpu.memory_space<vmem>>, %arg7: memref<2x128xf32, #tpu.memory_space<vmem>>, %arg8: memref<128xf32, #tpu.memory_space<vmem>>, %arg9: memref<128x10xf32, #tpu.memory_space<vmem>>, %arg10: memref<10xf32, #tpu.memory_space<vmem>>, %arg11: memref<2x128xf32, #tpu.memory_space<vmem>>, %arg12: memref<128xf32, #tpu.memory_space<vmem>>, %arg13: memref<128x1xf32, #tpu.memory_space<vmem>>, %arg14: memref<1xf32, #tpu.memory_space<vmem>>, %arg15: memref<1024x10xf32, #tpu.memory_space<vmem>>, %arg16: memref<1024x1xf32, #tpu.memory_space<vmem>>) attributes {dimension_semantics = [#tpu.dimension_semantics<arbitrary>], iteration_bounds = array<i64: 10>, scalar_prefetch = 0 : i64, scratch_operands = 0 : i64, tpu.core_type = #tpu.core_type<tc>, window_params = [{transform_indices = @transform_0, window_bounds = array<i64: 2, 2, 1024>}, {transform_indices = @transform_1, window_bounds = array<i64: 2, 1024>}, {transform_indices = @transform_2, window_bounds = array<i64: 1024>}, {pipeline_mode = #tpu.pipeline_mode<synchronous>, transform_indices = @transform_3, window_bounds = array<i64: 2>}, {pipeline_mode = #tpu.pipeline_mode<synchronous>, transform_indices = @transform_4, window_bounds = array<i64: 2, 2>}, {pipeline_mode = #tpu.pipeline_mode<synchronous>, transform_indices = @transform_5, window_bounds = array<i64: 2>}, {pipeline_mode = #tpu.pipeline_mode<synchronous>, transform_indices = @transform_6, window_bounds = array<i64: 2, 128>}, {pipeline_mode = #tpu.pipeline_mode<synchronous>, transform_indices = @transform_7, window_bounds = array<i64: 128>}, {pipeline_mode = #tpu.pipeline_mode<synchronous>, transform_indices = @transform_8, window_bounds = array<i64: 128, 10>}, {pipeline_mode = #tpu.pipeline_mode<synchronous>, transform_indices = @transform_9, window_bounds = array<i64: 10>}, {pipeline_mode = #tpu.pipeline_mode<synchronous>, transform_indices = @transform_10, window_bounds = array<i64: 2, 128>}, {pipeline_mode = #tpu.pipeline_mode<synchronous>, transform_indices = @transform_11, window_bounds = array<i64: 128>}, {pipeline_mode = #tpu.pipeline_mode<synchronous>, transform_indices = @transform_12, window_bounds = array<i64: 128, 1>}, {pipeline_mode = #tpu.pipeline_mode<synchronous>, transform_indices = @transform_13, window_bounds = array<i64: 1>}, {transform_indices = @transform_14, window_bounds = array<i64: 1024, 10>}, {transform_indices = @transform_15, window_bounds = array<i64: 1024, 1>}]} {
    %get3A = arith.constant 0 : index
    %get3A_0 = arith.constant 0 : index
    %get3A_1 = arith.constant 0 : index
    %get3A_2 = vector.load %arg1[%get3A, %get3A_0, %get3A_1] : memref<2x2x1024xf32, #tpu.memory_space<vmem>>, vector<1x2x1024xf32>
    %get3A_3 = vector.shape_cast %get3A_2 : vector<1x2x1024xf32> to vector<2x1024xf32>
    %get3A_4 = arith.constant 1 : index
    %get3A_5 = arith.constant 0 : index
    %get3A_6 = arith.constant 0 : index
    %get3A_7 = vector.load %arg1[%get3A_4, %get3A_5, %get3A_6] : memref<2x2x1024xf32, #tpu.memory_space<vmem>>, vector<1x2x1024xf32>
    %get3A_8 = vector.shape_cast %get3A_7 : vector<1x2x1024xf32> to vector<2x1024xf32>
    %add3A = arith.addf %get3A_3, %get3A_8 : vector<2x1024xf32>
    %get3A_9 = arith.constant 0 : index
    %get3A_10 = arith.constant 0 : index
    %get3A_11 = vector.load %arg2[%get3A_9, %get3A_10] : memref<2x1024xf32, #tpu.memory_space<vmem>>, vector<2x1024xf32>
    %sub3A = arith.subf %add3A, %get3A_11 : vector<2x1024xf32>
    %transpose3A = tpu.transpose %sub3A, [1, 0] : vector<2x1024xf32> -> vector<1024x2xf32>
    %get3A_12 = arith.constant 0 : index
    %get3A_13 = vector.load %arg3[%get3A_12] : memref<1024xf32, #tpu.memory_space<vmem>>, vector<1024xf32>
    %broadcast_in_dim3A = vector.shape_cast %get3A_13 : vector<1024xf32> to vector<1024x1xf32>
    %mul3A = vector.broadcast %broadcast_in_dim3A : vector<1024x1xf32> to vector<1024x2xf32>
    %mul3A_14 = arith.mulf %transpose3A, %mul3A : vector<1024x2xf32>
    %get3A_15 = arith.constant 0 : index
    %get3A_16 = vector.load %arg4[%get3A_15] : memref<2xf32, #tpu.memory_space<vmem>>, vector<2xf32>
    %broadcast_in_dim3A_17 = vector.shape_cast %get3A_16 : vector<2xf32> to vector<1x2xf32>
    %add3A_18 = vector.broadcast %broadcast_in_dim3A_17 : vector<1x2xf32> to vector<1024x2xf32>
    %add3A_19 = arith.addf %mul3A_14, %add3A_18 : vector<1024x2xf32>
    %max3A = arith.constant 0.000000e+00 : f32
    %max3A_20 = vector.broadcast %max3A : f32 to vector<1024x2xf32>
    %max3A_21 = arith.maximumf %add3A_19, %max3A_20 : vector<1024x2xf32>
    %get3A_22 = arith.constant 0 : index
    %get3A_23 = arith.constant 0 : index
    %get3A_24 = vector.load %arg5[%get3A_22, %get3A_23] : memref<2x2xf32, #tpu.memory_space<vmem>>, vector<2x2xf32>
    %dot_general3A = arith.constant dense<0.000000e+00> : vector<1024x2xf32>
    %dot_general3A_25 = tpu.matmul %max3A_21, %get3A_24, %dot_general3A {dimension_numbers = #tpu.dot_dimension_numbers<[1], [0], [0], [1], [0, 0, 1, 1], [], []>, transpose_lhs_hint = false} : vector<1024x2xf32>, vector<2x2xf32>, vector<1024x2xf32> -> vector<1024x2xf32>
    %get3A_26 = arith.constant 0 : index
    %get3A_27 = vector.load %arg6[%get3A_26] : memref<2xf32, #tpu.memory_space<vmem>>, vector<2xf32>
    %broadcast_in_dim3A_28 = vector.shape_cast %get3A_27 : vector<2xf32> to vector<1x2xf32>
    %add3A_29 = vector.broadcast %broadcast_in_dim3A_28 : vector<1x2xf32> to vector<1024x2xf32>
    %add3A_30 = arith.addf %dot_general3A_25, %add3A_29 : vector<1024x2xf32>
    %get3A_31 = arith.constant 0 : index
    %get3A_32 = arith.constant 0 : index
    %get3A_33 = vector.load %arg7[%get3A_31, %get3A_32] : memref<2x128xf32, #tpu.memory_space<vmem>>, vector<2x128xf32>
    %dot_general3A_34 = arith.constant dense<0.000000e+00> : vector<1024x128xf32>
    %dot_general3A_35 = tpu.matmul %add3A_30, %get3A_33, %dot_general3A_34 {dimension_numbers = #tpu.dot_dimension_numbers<[1], [0], [0], [1], [0, 0, 1, 1], [], []>, transpose_lhs_hint = false} : vector<1024x2xf32>, vector<2x128xf32>, vector<1024x128xf32> -> vector<1024x128xf32>
    %get3A_36 = arith.constant 0 : index
    %get3A_37 = vector.load %arg8[%get3A_36] : memref<128xf32, #tpu.memory_space<vmem>>, vector<128xf32>
    %broadcast_in_dim3A_38 = vector.shape_cast %get3A_37 : vector<128xf32> to vector<1x128xf32>
    %add3A_39 = vector.broadcast %broadcast_in_dim3A_38 : vector<1x128xf32> to vector<1024x128xf32>
    %add3A_40 = arith.addf %dot_general3A_35, %add3A_39 : vector<1024x128xf32>
    %max3A_41 = arith.constant 0.000000e+00 : f32
    %max3A_42 = vector.broadcast %max3A_41 : f32 to vector<1024x128xf32>
    %max3A_43 = arith.maximumf %add3A_40, %max3A_42 : vector<1024x128xf32>
    %get3A_44 = arith.constant 0 : index
    %get3A_45 = arith.constant 0 : index
    %get3A_46 = vector.load %arg9[%get3A_44, %get3A_45] : memref<128x10xf32, #tpu.memory_space<vmem>>, vector<128x10xf32>
    %dot_general3A_47 = arith.constant dense<0.000000e+00> : vector<1024x10xf32>
    %dot_general3A_48 = tpu.matmul %max3A_43, %get3A_46, %dot_general3A_47 {dimension_numbers = #tpu.dot_dimension_numbers<[1], [0], [0], [1], [0, 0, 1, 1], [], []>, transpose_lhs_hint = false} : vector<1024x128xf32>, vector<128x10xf32>, vector<1024x10xf32> -> vector<1024x10xf32>
    %get3A_49 = arith.constant 0 : index
    %get3A_50 = vector.load %arg10[%get3A_49] : memref<10xf32, #tpu.memory_space<vmem>>, vector<10xf32>
    %broadcast_in_dim3A_51 = vector.shape_cast %get3A_50 : vector<10xf32> to vector<1x10xf32>
    %add3A_52 = vector.broadcast %broadcast_in_dim3A_51 : vector<1x10xf32> to vector<1024x10xf32>
    %add3A_53 = arith.addf %dot_general3A_48, %add3A_52 : vector<1024x10xf32>
    %reduce_max3A = arith.constant dense<0xFF800000> : vector<1024xf32>
    %reduce_max3A_54 = vector.multi_reduction <maximumf>, %add3A_53, %reduce_max3A [1] : vector<1024x10xf32> to vector<1024xf32>
    %broadcast_in_dim3A_55 = vector.shape_cast %reduce_max3A_54 : vector<1024xf32> to vector<1024x1xf32>
    %sub3A_56 = vector.broadcast %broadcast_in_dim3A_55 : vector<1024x1xf32> to vector<1024x10xf32>
    %sub3A_57 = arith.subf %add3A_53, %sub3A_56 : vector<1024x10xf32>
    %exp3A = math.exp %sub3A_57 : vector<1024x10xf32>
    %reduce_sum3A = arith.constant dense<0.000000e+00> : vector<1024xf32>
    %reduce_sum3A_58 = vector.multi_reduction <add>, %exp3A, %reduce_sum3A [1] : vector<1024x10xf32> to vector<1024xf32>
    %broadcast_in_dim3A_59 = vector.shape_cast %reduce_sum3A_58 : vector<1024xf32> to vector<1024x1xf32>
    %div3A = vector.broadcast %broadcast_in_dim3A_59 : vector<1024x1xf32> to vector<1024x10xf32>
    %div3A_60 = arith.divf %exp3A, %div3A : vector<1024x10xf32>
    %swap3A = arith.constant 0 : index
    %swap3A_61 = arith.constant 0 : index
    %swap3A_62 = vector.load %arg15[%swap3A, %swap3A_61] : memref<1024x10xf32, #tpu.memory_space<vmem>>, vector<1024x10xf32>
    tpu.vector_store %arg15[%swap3A, %swap3A_61], %div3A_60 {strides = array<i32>} : memref<1024x10xf32, #tpu.memory_space<vmem>>, vector<1024x10xf32>,
    %get3A_63 = arith.constant 0 : index
    %get3A_64 = arith.constant 0 : index
    %get3A_65 = vector.load %arg11[%get3A_63, %get3A_64] : memref<2x128xf32, #tpu.memory_space<vmem>>, vector<2x128xf32>
    %dot_general3A_66 = arith.constant dense<0.000000e+00> : vector<1024x128xf32>
    %dot_general3A_67 = tpu.matmul %add3A_30, %get3A_65, %dot_general3A_66 {dimension_numbers = #tpu.dot_dimension_numbers<[1], [0], [0], [1], [0, 0, 1, 1], [], []>, transpose_lhs_hint = false} : vector<1024x2xf32>, vector<2x128xf32>, vector<1024x128xf32> -> vector<1024x128xf32>
    %get3A_68 = arith.constant 0 : index
    %get3A_69 = vector.load %arg12[%get3A_68] : memref<128xf32, #tpu.memory_space<vmem>>, vector<128xf32>
    %broadcast_in_dim3A_70 = vector.shape_cast %get3A_69 : vector<128xf32> to vector<1x128xf32>
    %add3A_71 = vector.broadcast %broadcast_in_dim3A_70 : vector<1x128xf32> to vector<1024x128xf32>
    %add3A_72 = arith.addf %dot_general3A_67, %add3A_71 : vector<1024x128xf32>
    %max3A_73 = arith.constant 0.000000e+00 : f32
    %max3A_74 = vector.broadcast %max3A_73 : f32 to vector<1024x128xf32>
    %max3A_75 = arith.maximumf %add3A_72, %max3A_74 : vector<1024x128xf32>
    %get3A_76 = arith.constant 0 : index
    %get3A_77 = arith.constant 0 : index
    %get3A_78 = vector.load %arg13[%get3A_76, %get3A_77] : memref<128x1xf32, #tpu.memory_space<vmem>>, vector<128x1xf32>
    %dot_general3A_79 = arith.constant dense<0.000000e+00> : vector<1024x1xf32>
    %dot_general3A_80 = tpu.matmul %max3A_75, %get3A_78, %dot_general3A_79 {dimension_numbers = #tpu.dot_dimension_numbers<[1], [0], [0], [1], [0, 0, 1, 1], [], []>, transpose_lhs_hint = false} : vector<1024x128xf32>, vector<128x1xf32>, vector<1024x1xf32> -> vector<1024x1xf32>
    %get3A_81 = arith.constant 0 : index
    %get3A_82 = vector.load %arg14[%get3A_81] : memref<1xf32, #tpu.memory_space<vmem>>, vector<1xf32>
    %broadcast_in_dim3A_83 = vector.shape_cast %get3A_82 : vector<1xf32> to vector<1x1xf32>
    %add3A_84 = vector.broadcast %broadcast_in_dim3A_83 : vector<1x1xf32> to vector<1024x1xf32>
    %add3A_85 = arith.addf %dot_general3A_80, %add3A_84 : vector<1024x1xf32>
    %swap3A_86 = arith.constant 0 : index
    %swap3A_87 = arith.constant 0 : index
    %swap3A_88 = vector.load %arg16[%swap3A_86, %swap3A_87] : memref<1024x1xf32, #tpu.memory_space<vmem>>, vector<1024x1xf32>
    tpu.vector_store %arg16[%swap3A_86, %swap3A_87], %add3A_85 {strides = array<i32>} : memref<1024x1xf32, #tpu.memory_space<vmem>>, vector<1024x1xf32>,
    return
  }
  func.func @transform_0(%arg0: i32) -> (i32, i32, i32) {
    %c0_i32 = arith.constant 0 : i32
    %c0_i32_0 = arith.constant 0 : i32
    %c0_i32_1 = arith.constant 0 : i32
    return %c0_i32, %c0_i32_0, %arg0 : i32, i32, i32
  }
  func.func @transform_1(%arg0: i32) -> (i32, i32) {
    %c0_i32 = arith.constant 0 : i32
    %c0_i32_0 = arith.constant 0 : i32
    return %c0_i32, %arg0 : i32, i32
  }
  func.func @transform_2(%arg0: i32) -> i32 {
    %c0_i32 = arith.constant 0 : i32
    return %arg0 : i32
  }
  func.func @transform_3(%arg0: i32) -> i32 {
    %c0_i32 = arith.constant 0 : i32
    %c0_i32_0 = arith.constant 0 : i32
    return %c0_i32 : i32
  }
  func.func @transform_4(%arg0: i32) -> (i32, i32) {
    %c0_i32 = arith.constant 0 : i32
    %c0_i32_0 = arith.constant 0 : i32
    %c0_i32_1 = arith.constant 0 : i32
    return %c0_i32, %c0_i32_0 : i32, i32
  }
  func.func @transform_5(%arg0: i32) -> i32 {
    %c0_i32 = arith.constant 0 : i32
    %c0_i32_0 = arith.constant 0 : i32
    return %c0_i32 : i32
  }
  func.func @transform_6(%arg0: i32) -> (i32, i32) {
    %c0_i32 = arith.constant 0 : i32
    %c0_i32_0 = arith.constant 0 : i32
    %c0_i32_1 = arith.constant 0 : i32
    return %c0_i32, %c0_i32_0 : i32, i32
  }
  func.func @transform_7(%arg0: i32) -> i32 {
    %c0_i32 = arith.constant 0 : i32
    %c0_i32_0 = arith.constant 0 : i32
    return %c0_i32 : i32
  }
  func.func @transform_8(%arg0: i32) -> (i32, i32) {
    %c0_i32 = arith.constant 0 : i32
    %c0_i32_0 = arith.constant 0 : i32
    %c0_i32_1 = arith.constant 0 : i32
    return %c0_i32, %c0_i32_0 : i32, i32
  }
  func.func @transform_9(%arg0: i32) -> i32 {
    %c0_i32 = arith.constant 0 : i32
    %c0_i32_0 = arith.constant 0 : i32
    return %c0_i32 : i32
  }
  func.func @transform_10(%arg0: i32) -> (i32, i32) {
    %c0_i32 = arith.constant 0 : i32
    %c0_i32_0 = arith.constant 0 : i32
    %c0_i32_1 = arith.constant 0 : i32
    return %c0_i32, %c0_i32_0 : i32, i32
  }
  func.func @transform_11(%arg0: i32) -> i32 {
    %c0_i32 = arith.constant 0 : i32
    %c0_i32_0 = arith.constant 0 : i32
    return %c0_i32 : i32
  }
  func.func @transform_12(%arg0: i32) -> (i32, i32) {
    %c0_i32 = arith.constant 0 : i32
    %c0_i32_0 = arith.constant 0 : i32
    %c0_i32_1 = arith.constant 0 : i32
    return %c0_i32, %c0_i32_0 : i32, i32
  }
  func.func @transform_13(%arg0: i32) -> i32 {
    %c0_i32 = arith.constant 0 : i32
    %c0_i32_0 = arith.constant 0 : i32
    return %c0_i32 : i32
  }
  func.func @transform_14(%arg0: i32) -> (i32, i32) {
    %c0_i32 = arith.constant 0 : i32
    %c0_i32_0 = arith.constant 0 : i32
    return %arg0, %c0_i32 : i32, i32
  }
  func.func @transform_15(%arg0: i32) -> (i32, i32) {
    %c0_i32 = arith.constant 0 : i32
    %c0_i32_0 = arith.constant 0 : i32
    return %arg0, %c0_i32 : i32, i32
  }
}

</mosaic_0001>

<sc_bundles>
// kernel: kernel.11.cloned.1.call-start
scs
__scs_entry_jumppad:
0x0: {  	(pc) =	sbr.rel $0x88, $3  }
0x1: {  	(tag) =	ssettag $0x0;
	lr =	simm.s32 $0x1  }
0x2: {  	[smem:$0x3F91] =	sst lr;
	_ =	strace $0xD0000000  }
0x3: {  	_ = 	snop  }
0x4: {  	_ = 	snop  }
0x5: {  	_ = 	snop  }
0x6: {  	_ = 	snop  }
0x7: {  	_ = 	snop  }
__scs_overlays_trampoline_lowered:
0x8: {  	[smem:$0x3FA0] =	sst s0  }
0x9: {  	[smem:$0x3FA1] =	sst s1  }
0xa: {  	[smem:$0x3FA2] =	sst s2  }
0xb: {  	[smem:$0x3FA3] =	sst s3  }
0xc: {  	[smem:$0x3FA4] =	sst s4  }
0xd: {  	[smem:$0x3FA5] =	sst s5  }
0xe: {  	[smem:$0x3FA6] =	sst s6  }
0xf: {  	[smem:$0x3FA7] =	sst s7  }
0x10: {  	[smem:$0x3FA8] =	sst s8  }
0x11: {  	[smem:$0x3FA9] =	sst s9;
	s0 =	simm.s32 @!p0 $0x0  }
0x12: {  	s1 =	sld [smem:$0x3F8F];
	s0 =	simm.s32 @p0 $0x1  }
0x13: {  	[smem:$0x3FAA] =	sst s0;
	s0 =	simm.s32 @!p1 $0x0  }
0x14: {  	s2 =	sld [smem:$0x3F8E];
	s0 =	simm.s32 @p1 $0x1  }
0x15: {  	[smem:$0x3FAB] =	sst s0;
	s0 =	simm.s32 @!p2 $0x0  }
0x16: {  	s3 =	sld [smem:$0x3FDB];
	s0 =	simm.s32 @p2 $0x1  }
0x17: {  	s4 =	simm.s32 $0x1BF5;
	[smem:$0x3FAD] =	sst s0  }
0x18: {  	s0 =	sld [smem:$0x3F90];
	_ =	swait.ge [sflag:s4], $0x0  }
0x19: {  	s7 =	sld [smem:$0x3F91]  }
0x1a: {  	s8 =	sadd.s32 $0xFFFFE003, lr  }
0x1b: {  	s9 =	sadd.s32 $0xFFFFFEF7, lr;
	s5 =	simm.s32 $0xFFFFFFFF;
	p2 =	slt.u32 s8, $0xFFFFF086  }
0x1c: {  	p1 =	slt.u32 s9, $0xF7A;
	s5 =	simm.s32 @!p2 $0x0  }
0x1d: {  	s5 =	simm.s32 @p1 $0x1;
	p0 =	seq.s32 s7, s2  }
0x1e: {  	s7 =	smul.u32 @!p0 $0xF7A, s2;
	p2 =	seq.s32 @!p0 s5, $0x0  }
0x1f: {  	s9 =	smul.u32 $0xF7A, s1;
	s8 =	simm.s32 @!p0 $0x1BF5;
	p2 =	por !p2, p0  }
0x20: {  	[sflag:s8] =	ssyncset.s32 @!p0 $0xFFFFF086;
	s6 =	sadd.s32 @!p0 s3, s7;
	s7 =	simm.s32 @!p0 $0x108  }
0x21: {  	s3 =	sadd.s32 s3, s9;
	s6 =	sadd.s32 @!p0 $0x88, s6;
	s7 =	simm.s32 @p2 $0x1082  }
0x22: {  	[simem:s7], [sflag:s8] =	dma.local @!p0 [hbm:s6], $0xF7A  }
0x23: {  	s9 =	sor.u32 $0xD0000000, s2;
	s6 =	simm.s32 $0x108;
	_ =	swait.ge @!p0 [sflag:s8], $0x0  }
0x24: {  	s3 =	sadd.s32 $0x88, s3;
	s6 =	simm.s32 @!p1 $0x1082;
	[sflag:s4] =	ssyncset.s32 $0xFFFFF086  }
0x25: {  	[simem:s6], [sflag:s4] =	dma.local [hbm:s3], $0xF7A  }
0x26: {  	[smem:$0x3F91] =	sst s1;
	(tag) =	ssettag s2;
	_ =	strace s9  }
0x27: {  	s1 =	sld [smem:$0x3FA1]  }
0x28: {  	s2 =	sld [smem:$0x3FA2]  }
0x29: {  	s4 =	sld [smem:$0x3FA4]  }
0x2a: {  	p0 =	seq.s32 s5, $0x0;
	s5 =	sld [smem:$0x3FA5]  }
0x2b: {  	s6 =	sld [smem:$0x3FA6]  }
0x2c: {  	s7 =	sld [smem:$0x3FA7]  }
0x2d: {  	s3 =	simm.s32 $0x108;
	s8 =	sld [smem:$0x3FA8]  }
0x2e: {  	s3 =	simm.s32 @!p0 $0x1082;
	s9 =	sld [smem:$0x3FA9]  }
0x2f: {  	lr =	sadd.s32 s0, s3;
	s0 =	sld [smem:$0x3FA0]  }
0x30: {  	s3 =	sld [smem:$0x3FA3]  }
0x31: {  	[smem:$0x3FAC] =	sst s10  }
0x32: {  	s10 =	sld [smem:$0x3FAA];
	_ =	sdelay $0x3  }
0x33: {  	p0 =	seq.s32 s10, $0x1;
	s10 =	sld [smem:$0x3FAC];
	_ =	sdelay $0x3  }
0x34: {  	[smem:$0x3FAC] =	sst s10  }
0x35: {  	s10 =	sld [smem:$0x3FAB];
	_ =	sdelay $0x3  }
0x36: {  	p1 =	seq.s32 s10, $0x1;
	s10 =	sld [smem:$0x3FAC];
	_ =	sdelay $0x3  }
0x37: {  	[smem:$0x3FAC] =	sst s10  }
0x38: {  	s10 =	sld [smem:$0x3FAD]  }
0x39: {  	_ = 	snop;
	(pc) =	sbr.ind lr, $3  }
0x3a: {  	_ = 	snop  }
0x3b: {  	_ = 	snop  }
0x3c: {  	p2 =	seq.s32 s10, $0x1;
	s10 =	sld [smem:$0x3FAC]  }
0x3d: {  	_ =	shalt  }
0x3e: {  	_ =	shalt  }
0x3f: {  	_ =	shalt  }
0x40: {  	_ =	shalt  }
0x41: {  	_ =	shalt  }
0x42: {  	_ =	shalt  }
0x43: {  	_ =	shalt  }
0x44: {  	_ =	shalt  }
0x45: {  	_ =	shalt  }
0x46: {  	_ =	shalt  }
0x47: {  	_ =	shalt  }
0x48: {  	_ =	shalt  }
0x49: {  	_ =	shalt  }
0x4a: {  	_ =	shalt  }
0x4b: {  	_ =	shalt  }
0x4c: {  	_ =	shalt  }
0x4d: {  	_ =	shalt  }
0x4e: {  	_ =	shalt  }
0x4f: {  	_ =	shalt  }
0x50: {  	_ =	shalt  }
0x51: {  	_ =	shalt  }
0x52: {  	_ =	shalt  }
0x53: {  	_ =	shalt  }
0x54: {  	_ =	shalt  }
0x55: {  	_ =	shalt  }
0x56: {  	_ =	shalt  }
0x57: {  	_ =	shalt  }
0x58: {  	_ =	shalt  }
0x59: {  	_ =	shalt  }
0x5a: {  	_ =	shalt  }
0x5b: {  	_ =	shalt  }
0x5c: {  	_ =	shalt  }
0x5d: {  	_ =	shalt  }
0x5e: {  	_ =	shalt  }
0x5f: {  	_ =	shalt  }
0x60: {  	_ =	shalt  }
0x61: {  	_ =	shalt  }
0x62: {  	_ =	shalt  }
0x63: {  	_ =	shalt  }
0x64: {  	_ =	shalt  }
0x65: {  	_ =	shalt  }
0x66: {  	_ =	shalt  }
0x67: {  	_ =	shalt  }
0x68: {  	_ =	shalt  }
0x69: {  	_ =	shalt  }
0x6a: {  	_ =	shalt  }
0x6b: {  	_ =	shalt  }
0x6c: {  	_ =	shalt  }
0x6d: {  	_ =	shalt  }
0x6e: {  	_ =	shalt  }
0x6f: {  	_ =	shalt  }
0x70: {  	_ =	shalt  }
0x71: {  	_ =	shalt  }
0x72: {  	_ =	shalt  }
0x73: {  	_ =	shalt  }
0x74: {  	_ =	shalt  }
0x75: {  	_ =	shalt  }
0x76: {  	_ =	shalt  }
0x77: {  	_ =	shalt  }
0x78: {  	_ =	shalt  }
0x79: {  	_ =	shalt  }
0x7a: {  	_ =	shalt  }
0x7b: {  	_ =	shalt  }
0x7c: {  	_ =	shalt  }
0x7d: {  	_ =	shalt  }
0x7e: {  	_ =	shalt  }
0x7f: {  	_ =	shalt  }
0x80: {  	_ =	shalt  }
0x81: {  	_ =	shalt  }
0x82: {  	_ =	shalt  }
0x83: {  	_ =	shalt  }
0x84: {  	_ =	shalt  }
0x85: {  	_ =	shalt  }
0x86: {  	_ =	shalt  }
0x87: {  	_ =	shalt  }
.Lfunc_end0:
.L_simem_size_0:
called_computation.1_lowered:
.L_overlay_start_0:
0x88: {  	s2 =	sld [smem:$0x3FD9]  }
0x89: {  	s3 =	sld [smem:$0x3FFE];
	_ =	sdelay $0x1  }
0x8a: {  	s1 =	srdreg.scid  }
0x8b: {  	s0 =	sand.u32 $0x1, s1  }
0x8c: {  	s14 =	sshll.u32 s0, $0xA;
	s2 =	sadd.s32 s3, s2  }
0x8d: {  	s2 =	sadd.s32 s2, s14  }
0x8e: {  	[smem:$0x3FB8] =	sst s2  }
0x8f: {  	_ = 	snop  }
0x90: {  	s2 =	sld [smem:$0x3FD0];
	_ =	sdelay $0x2  }
0x91: {  	s15 =	simm.s32 $0xA;
	s4 =	simm.s32 $0x10  }
0x92: {  	[smem:s4], [sflag:s15] =	dma.local [hbm:s2], $0x1  }
0x93: {  	_ =	swait.eq [sflag:s15], $0x1  }
0x94: {  	[sflag:s15] =	ssyncset.done $0x0  }
0x95: {  	[sflag:s15] =	ssyncadd.s32 $0xFFFFFFFF  }
0x96: {  	s16 =	sld [smem:$0x10];
	(tm) =	ssettm $0x1  }
0x97: {  	s17 =	sld [smem:$0x3FFB];
	_ =	sdelay $0x3  }
0x98: {  	_ =	strace s17  }
0x99: {  	s3 =	sld [smem:$0x3FFC];
	_ =	sdelay $0x3  }
0x9a: {  	_ =	strace s3  }
0x9b: {  	s3 =	sld [smem:$0x3FFD];
	_ =	sdelay $0x3  }
0x9c: {  	_ =	strace s3  }
0x9d: {  	_ =	strace $0x8FFFFFFF  }
0x9e: {  	s18 =	sld [smem:$0x3FDB];
	_ =	sdelay $0x1  }
0x9f: {  	s19 =	simm.s32 $_scs_section_size  }
0xa0: {  	s5 =	simm.s32 $_size__tile_overlayer_lowered;
	s6 =	simm.s32 $_tile_overlayer_lowered  }
0xa1: {  	s22 =	simm.s32 $0x1BFF;
	s21 =	sshll.u32 s6, $0x1;
	s3 =	sadd.s32 s19, s18  }
0xa2: {  	s7 =	simm.s32 $0x0;
	s20 =	sshll.u32 s5, $0x1;
	s5 =	sadd.s32 s21, s3  }
0xa3: {  	[timem:s7], [sflag:s22] =	dma.local [hbm:s5], s20  }
0xa4: {  	_ =	swait.ge [sflag:s22], s20  }
0xa5: {  	s4 =	ssub.s32 $0x0, s20;
	[sflag:s22] =	ssyncset.done $0x0  }
0xa6: {  	[sflag:s22] =	ssyncadd.s32 s4;
	_ =	sdelay $0x1  }
0xa7: {  	s23 =	simm.s32 $0x1B8B  }
0xa8: {  	_ =	swait.ge [sflag:s23], $0x1  }
0xa9: {  	[sflag:s23] =	ssyncset.done $0x0  }
0xaa: {  	s25 =	simm.s32 $0x1B8E;
	s24 =	sld [smem:$0x3FFE];
	[sflag:s23] =	ssyncadd.s32 $0xFFFFFFFF  }
0xab: {  	s26 =	simm.s32 $execute0_lowered;
	[smem:$0x3FD2] =	sst s25  }
0xac: {  	s5 =	sshll.u32 s26, $0x1;
	_ =	strace $0x80000049;
	[dreg:$0x1] =	wrdreg $0xFFFFFFFF  }
0xad: {  	s28 =	simm.s32 $_size_execute0_lowered;
	s3 =	sadd.s32 s3, s5;
	[dreg:$0x0] =	wrdreg $0x0  }
0xae: {  	s5 =	sshll.u32 s28, $0x1;
	[dreg:$0x2] =	wrdreg s3  }
0xaf: {  	[dreg:$0x3] =	wrdreg s5  }
0xb0: {  	[dreg:$0x4] =	wrdreg $0xC0  }
0xb1: {  	_ =	task [dreg:s7], $0x5FFFF  }
0xb2: {  	[dreg:$0x1] =	wrdreg $0xFFFFFFFF  }
0xb3: {  	[dreg:$0x0] =	wrdreg $0x60  }
0xb4: {  	[dreg:$0x2] =	wrdreg s24  }
0xb5: {  	[dreg:$0x3] =	wrdreg s16  }
0xb6: {  	[dreg:$0x4] =	wrdreg $0x88000  }
0xb7: {  	[dreg:$0x5] =	wrdreg $0x9  }
0xb8: {  	_ =	task.clear_ibuf [dreg:s7], $0x6FFFF;
	_ =	strace $0x90000049  }
0xb9: {  	s29 =	simm.s32 $0x9;
	_ =	strace $0x8000004B  }
0xba: {  	_ =	swait.ge [sflag:s29], $0x1  }
0xbb: {  	[sflag:s29] =	ssyncadd.s32 $0xFFFFFFFF  }
0xbc: {  	_ =	strace $0x9000004B  }
0xbd: {  	_ =	sfence  }
0xbe: {  	s30 =	sld [smem:$0x0];
	_ =	sdelay $0x2  }
0xbf: {  	s31 =	sshll.u32 s1, $0xD;
	s1 =	sshrl.u32 s1, $0x2  }
0xc0: {  	s3 =	sand.u32 $0x4000, s31;
	s1 =	sadd.s32 s1, s30  }
0xc1: {  	s0 =	sor.u32 s3, s0;
	s1 =	sshll.u32 s1, $0x11  }
0xc2: {  	s0 =	sor.u32 s1, s0  }
0xc3: {  	s0 =	sadd.s32 $0x8F2B, s0  }
0xc4: {  	[sflag:s0] =	ssyncadd.remote.s32 $0x1  }
0xc5: {  	_ =	sfence.sel $0xFFFF  }
0xc6: {  	[dreg:$0x0] =	wrdreg $0xFFFFFFFF;
	(pc) =	sbr.abs _section_cstart, $3  }
0xc7: {  	[dreg:$0x1] =	wrdreg $0xFFFFFFFF  }
0xc8: {  	_ =	task.clear_ibuf [dreg:s7], $0x2FFFF;
	_ =	strace $0x9FFFFFFF  }
0xc9: {  	(tm) =	ssettm $0x7FFFFFFF  }
tec
execute0_lowered:
.L_overlay_start_1:
0x0: {  	(tag) =	ssettag $0x1  }
0x1: {  	s0 =	rddreg [dreg:$0x0]  }
0x2: {  	s2 =	rddreg [dreg:$0x1]  }
0x3: {  	s1 =	rddreg [dreg:$0x2]  }
0x4: {  	s3 =	srdreg.scid;
	s13 =	stileid.u32;
	s14 =	simm.s32 $0x80  }
0x5: {  	s15 =	simm.s32 $0x800;
	s16 =	simm.s32 $0x4800;
	s17 =	simm.s32 $0x1  }
0x6: {  	s18 =	simm.s32 $0x2;
	s19 =	simm.s32 $0x100;
	s20 =	simm.s32 $0x480  }
0x7: {  	s21 =	simm.s32 $0x180;
	s28 =	simm.s32 $0x300;
	s29 =	simm.s32 $0x680  }
0x8: {  	s30 =	simm.s32 $0x380;
	s31 =	simm.s32 $0x700;
	s7 =	smul.u32 $0x2800, s13  }
0x9: {  	s5 =	sand.u32 $0x1, s3;
	s3 =	simm.s32 $0x0;
	s10 =	smul.u32 $0x50000, s13  }
0xa: {  	s4 =	sadd.s32 $0x20800, s0;
	s12 =	smul.u32 $0x500, s13;
	s26 =	sshll.u32 s13, $0x6  }
0xb: {  	s13 =	simm.s32 $0x400;
	s6 =	smul.u32 $0x5000, s5;
	[smem:$0x7FF] =	sst s3  }
0xc: {  	s8 =	smul.u32 $0x28000, s5;
	s9 =	ssub.s32 $0x2, s5;
	p0 =	sne.s32 s5, $0x0  }
0xd: {  	_ =	strace $0x8000004A;
	s11 =	sshrl.u32 s9, $0x1;
	s23 =	sshrl.u32 s10, $0x2  }
0xe: {  	s6 =	sadd.s32 s6, s0;
	s8 =	sadd.s32 s7, s8;
	s22 =	ssub.s32 s9, s11  }
0xf: {  	s24 =	sadd.s32 s23, s1;
	s7 =	sadd.s32 s4, s7;
	s23 =	simm.s32 $0x200  }
0x10: {  	s0 =	sadd.s32 s8, s0;
	s6 =	sadd.s32 s12, s6;
	s25 =	smax.u32 s22, $0x1  }
0x11: {  	s7 =	smov.u32 @p0 s2;
	s12 =	simm.s32 $0x3;
	s22 =	simm.s32 $0x500  }
0x12: {  	s2 =	simm.s32 $0x0;
	s0 =	sadd.s32 $0x48800, s0;
	[dreg:$0x6] =	wrdreg s25  }
0x13: {  	s8 =	sadd.s32 $0xC800, s6;
	s9 =	sadd.s32 $0x16800, s6;
	[dreg:$0x4] =	wrdreg s7  }
0x14: {  	s6 =	sor.u32 $0x1C03, s26;
	s7 =	sshrl.u32 s24, $0x3;
	[dreg:$0x5] =	wrdreg s0  }
0x15: {  	s24 =	simm.s32 $0x580;
	s25 =	simm.s32 $0x280;
	[dreg:$0x7] =	wrdreg s6  }
0x16: {  	s26 =	simm.s32 $0x600;
	s0 =	simm.s32 $0x780;
	[dreg:$0x8] =	wrdreg s7  }
.LBB2_1:
0x17: {  	s5 =	rddreg [dreg:$0x4]  }
0x18: {  	[spmem:s7], [sflag:s6] =	dma.local [hbm:s5], $0x2800  }
0x19: {  	_ =	swait.ge [sflag:s12], $0x2800  }
0x1a: {  	[sflag:s12] =	ssyncset.done $0x0  }
0x1b: {  	[sflag:s12] =	ssyncadd.s32 $0xFFFFD800  }
0x1c: {  	s10 =	sadd.s32 $0x0, s9;
	[bflag:$0x0] =	sbarrier.arrive $0xFFFF  }
0x1d: {  	[tilespmem:s3], [sflag:$0x3] =	stream.linear.gather [hbm4b:s10+s3], $0x400, $0x38;
	[tilespmem:$0x1C800] =	vst v63  }
0x1e: {  	_ =	swait.ge [sflag:s12], $0x400  }
0x1f: {  	[sflag:s12] =	ssyncset.done $0x0  }
0x20: {  	s11 =	sadd.s32 $0x0, s8;
	[sflag:s12] =	ssyncadd.s32 $0xFFFFFC00  }
0x21: {  	[tilespmem:s13], [sflag:$0x3] =	stream.linear.gather [hbm4b:s11+s3], $0x400, $0x38;
	[tilespmem:$0x1C800] =	vst v63  }
0x22: {  	_ =	swait.ge [sflag:s12], $0x400  }
0x23: {  	[sflag:s12] =	ssyncset.done $0x0  }
0x24: {  	[sflag:s12] =	ssyncadd.s32 $0xFFFFFC00  }
0x25: {  	[tilespmem:s15], [sflag:$0x1] =	stream.indirect.gather [hbm4b:s4+s14], $0x80, s3, s14, $0xb8;
	[tilespmem:$0x1C800] =	vst v63  }
0x26: {  	_ = 	snop  }
0x27: {  	[tilespmem:s16], [sflag:$0x1] =	stream.indirect.gather [hbm4b:s4+s14], $0x80, s14, s14, $0xb8;
	[tilespmem:$0x1C800] =	vst v63  }
0x28: {  	_ =	swait.ge [sflag:s17], $0x4000  }
0x29: {  	[sflag:s17] =	ssyncset.done $0x0  }
0x2a: {  	[sflag:s17] =	ssyncadd.s32 $0xFFFFC000  }
0x2b: {  	[spmem:s1] =	stream.indirect.scatter.add.f32 [tilespmem:s15], [sflag:$0x2], $0x80, s13, s14, $0xb8;
	[tilespmem:$0x1C800] =	vst v63  }
0x2c: {  	_ =	swait.ge [sflag:s18], $0x4000  }
0x2d: {  	[sflag:s18] =	ssyncset.done $0x0  }
0x2e: {  	[sflag:s18] =	ssyncadd.s32 $0xFFFFC000  }
0x2f: {  	[tilespmem:s15], [sflag:$0x1] =	stream.indirect.gather [hbm4b:s4+s14], $0x80, s19, s14, $0xb8;
	[tilespmem:$0x1C800] =	vst v63  }
0x30: {  	_ =	swait.ge [sflag:s17], $0x4000  }
0x31: {  	[sflag:s17] =	ssyncset.done $0x0  }
0x32: {  	[sflag:s17] =	ssyncadd.s32 $0xFFFFC000  }
0x33: {  	[spmem:s1] =	stream.indirect.scatter.add.f32 [tilespmem:s16], [sflag:$0x2], $0x80, s20, s14, $0xb8;
	[tilespmem:$0x1C800] =	vst v63  }
0x34: {  	_ =	swait.ge [sflag:s18], $0x4000  }
0x35: {  	[sflag:s18] =	ssyncset.done $0x0  }
0x36: {  	[sflag:s18] =	ssyncadd.s32 $0xFFFFC000  }
0x37: {  	[tilespmem:s16], [sflag:$0x1] =	stream.indirect.gather [hbm4b:s4+s14], $0x80, s21, s14, $0xb8;
	[tilespmem:$0x1C800] =	vst v63  }
0x38: {  	_ =	swait.ge [sflag:s17], $0x4000  }
0x39: {  	[sflag:s17] =	ssyncset.done $0x0  }
0x3a: {  	[sflag:s17] =	ssyncadd.s32 $0xFFFFC000  }
0x3b: {  	[spmem:s1] =	stream.indirect.scatter.add.f32 [tilespmem:s15], [sflag:$0x2], $0x80, s22, s14, $0xb8;
	[tilespmem:$0x1C800] =	vst v63  }
0x3c: {  	_ =	swait.ge [sflag:s18], $0x4000  }
0x3d: {  	[sflag:s18] =	ssyncset.done $0x0  }
0x3e: {  	[sflag:s18] =	ssyncadd.s32 $0xFFFFC000  }
0x3f: {  	[tilespmem:s15], [sflag:$0x1] =	stream.indirect.gather [hbm4b:s4+s14], $0x80, s23, s14, $0xb8;
	[tilespmem:$0x1C800] =	vst v63  }
0x40: {  	_ =	swait.ge [sflag:s17], $0x4000  }
0x41: {  	[sflag:s17] =	ssyncset.done $0x0  }
0x42: {  	[sflag:s17] =	ssyncadd.s32 $0xFFFFC000  }
0x43: {  	[spmem:s1] =	stream.indirect.scatter.add.f32 [tilespmem:s16], [sflag:$0x2], $0x80, s24, s14, $0xb8;
	[tilespmem:$0x1C800] =	vst v63  }
0x44: {  	_ =	swait.ge [sflag:s18], $0x4000  }
0x45: {  	[sflag:s18] =	ssyncset.done $0x0  }
0x46: {  	[sflag:s18] =	ssyncadd.s32 $0xFFFFC000  }
0x47: {  	[tilespmem:s16], [sflag:$0x1] =	stream.indirect.gather [hbm4b:s4+s14], $0x80, s25, s14, $0xb8;
	[tilespmem:$0x1C800] =	vst v63  }
0x48: {  	_ =	swait.ge [sflag:s17], $0x4000  }
0x49: {  	[sflag:s17] =	ssyncset.done $0x0  }
0x4a: {  	[sflag:s17] =	ssyncadd.s32 $0xFFFFC000  }
0x4b: {  	[spmem:s1] =	stream.indirect.scatter.add.f32 [tilespmem:s15], [sflag:$0x2], $0x80, s26, s14, $0xb8;
	[tilespmem:$0x1C800] =	vst v63  }
0x4c: {  	_ =	swait.ge [sflag:s18], $0x4000  }
0x4d: {  	[sflag:s18] =	ssyncset.done $0x0  }
0x4e: {  	[sflag:s18] =	ssyncadd.s32 $0xFFFFC000  }
0x4f: {  	[tilespmem:s15], [sflag:$0x1] =	stream.indirect.gather [hbm4b:s4+s14], $0x80, s28, s14, $0xb8;
	[tilespmem:$0x1C800] =	vst v63  }
0x50: {  	_ =	swait.ge [sflag:s17], $0x4000  }
0x51: {  	[sflag:s17] =	ssyncset.done $0x0  }
0x52: {  	[sflag:s17] =	ssyncadd.s32 $0xFFFFC000  }
0x53: {  	[spmem:s1] =	stream.indirect.scatter.add.f32 [tilespmem:s16], [sflag:$0x2], $0x80, s29, s14, $0xb8;
	[tilespmem:$0x1C800] =	vst v63  }
0x54: {  	_ =	swait.ge [sflag:s18], $0x4000  }
0x55: {  	[sflag:s18] =	ssyncset.done $0x0  }
0x56: {  	[sflag:s18] =	ssyncadd.s32 $0xFFFFC000  }
0x57: {  	[tilespmem:s16], [sflag:$0x1] =	stream.indirect.gather [hbm4b:s4+s14], $0x80, s30, s14, $0xb8;
	[tilespmem:$0x1C800] =	vst v63  }
0x58: {  	_ =	swait.ge [sflag:s17], $0x4000  }
0x59: {  	[sflag:s17] =	ssyncset.done $0x0  }
0x5a: {  	[sflag:s17] =	ssyncadd.s32 $0xFFFFC000  }
0x5b: {  	[spmem:s1] =	stream.indirect.scatter.add.f32 [tilespmem:s15], [sflag:$0x2], $0x80, s31, s14, $0xb8;
	[tilespmem:$0x1C800] =	vst v63  }
0x5c: {  	_ =	swait.ge [sflag:s17], $0x4000  }
0x5d: {  	[sflag:s17] =	ssyncset.done $0x0  }
0x5e: {  	[sflag:s17] =	ssyncadd.s32 $0xFFFFC000  }
0x5f: {  	[spmem:s1] =	stream.indirect.scatter.add.f32 [tilespmem:s16], [sflag:$0x2], $0x80, s0, s14, $0xb8;
	[tilespmem:$0x1C800] =	vst v63  }
0x60: {  	_ =	swait.ge [sflag:s18], $0x4000  }
0x61: {  	[sflag:s18] =	ssyncset.done $0x0  }
0x62: {  	[sflag:s18] =	ssyncadd.s32 $0xFFFFC000  }
0x63: {  	_ =	swait.ge [sflag:s18], $0x4000  }
0x64: {  	s6 =	simm.s32 $0x80;
	s7 =	simm.s32 $0x100;
	[sflag:s18] =	ssyncset.done $0x0  }
.LBB2_2:
0x65: {  	s10 =	sadd.s32 s6, s9  }
0x66: {  	[sflag:s18] =	ssyncadd.s32 $0xFFFFC000;
	s11 =	smov.u32 s7;
	s5 =	sadd.s32 $0x80, s7  }
0x67: {  	[tilespmem:s3], [sflag:$0x3] =	stream.linear.gather [hbm4b:s10+s3], $0x400, $0x38;
	[tilespmem:$0x1C800] =	vst v63  }
0x68: {  	p0 =	sne.s32 s7, $0x480;
	_ =	swait.ge [sflag:s12], $0x400  }
0x69: {  	[sflag:s12] =	ssyncset.done $0x0  }
0x6a: {  	s7 =	sadd.s32 s6, s8;
	s6 =	smov.u32 s11;
	[sflag:s12] =	ssyncadd.s32 $0xFFFFFC00  }
0x6b: {  	[tilespmem:s13], [sflag:$0x3] =	stream.linear.gather [hbm4b:s7+s3], $0x400, $0x38;
	[tilespmem:$0x1C800] =	vst v63  }
0x6c: {  	_ =	swait.ge [sflag:s12], $0x400  }
0x6d: {  	[sflag:s12] =	ssyncset.done $0x0  }
0x6e: {  	[sflag:s12] =	ssyncadd.s32 $0xFFFFFC00  }
0x6f: {  	[tilespmem:s15], [sflag:$0x1] =	stream.indirect.gather [hbm4b:s4+s14], $0x80, s3, s14, $0xb8;
	[tilespmem:$0x1C800] =	vst v63  }
0x70: {  	_ = 	snop  }
0x71: {  	[tilespmem:s16], [sflag:$0x1] =	stream.indirect.gather [hbm4b:s4+s14], $0x80, s14, s14, $0xb8;
	[tilespmem:$0x1C800] =	vst v63  }
0x72: {  	_ =	swait.ge [sflag:s17], $0x4000  }
0x73: {  	[sflag:s17] =	ssyncset.done $0x0  }
0x74: {  	[sflag:s17] =	ssyncadd.s32 $0xFFFFC000  }
0x75: {  	[spmem:s1] =	stream.indirect.scatter.add.f32 [tilespmem:s15], [sflag:$0x2], $0x80, s13, s14, $0xb8;
	[tilespmem:$0x1C800] =	vst v63  }
0x76: {  	_ =	swait.ge [sflag:s18], $0x4000  }
0x77: {  	[sflag:s18] =	ssyncset.done $0x0  }
0x78: {  	[sflag:s18] =	ssyncadd.s32 $0xFFFFC000  }
0x79: {  	[tilespmem:s15], [sflag:$0x1] =	stream.indirect.gather [hbm4b:s4+s14], $0x80, s19, s14, $0xb8;
	[tilespmem:$0x1C800] =	vst v63  }
0x7a: {  	_ =	swait.ge [sflag:s17], $0x4000  }
0x7b: {  	[sflag:s17] =	ssyncset.done $0x0  }
0x7c: {  	[sflag:s17] =	ssyncadd.s32 $0xFFFFC000  }
0x7d: {  	[spmem:s1] =	stream.indirect.scatter.add.f32 [tilespmem:s16], [sflag:$0x2], $0x80, s20, s14, $0xb8;
	[tilespmem:$0x1C800] =	vst v63  }
0x7e: {  	_ =	swait.ge [sflag:s18], $0x4000  }
0x7f: {  	[sflag:s18] =	ssyncset.done $0x0  }
0x80: {  	[sflag:s18] =	ssyncadd.s32 $0xFFFFC000  }
0x81: {  	[tilespmem:s16], [sflag:$0x1] =	stream.indirect.gather [hbm4b:s4+s14], $0x80, s21, s14, $0xb8;
	[tilespmem:$0x1C800] =	vst v63  }
0x82: {  	_ =	swait.ge [sflag:s17], $0x4000  }
0x83: {  	[sflag:s17] =	ssyncset.done $0x0  }
0x84: {  	[sflag:s17] =	ssyncadd.s32 $0xFFFFC000  }
0x85: {  	[spmem:s1] =	stream.indirect.scatter.add.f32 [tilespmem:s15], [sflag:$0x2], $0x80, s22, s14, $0xb8;
	[tilespmem:$0x1C800] =	vst v63  }
0x86: {  	_ =	swait.ge [sflag:s18], $0x4000  }
0x87: {  	[sflag:s18] =	ssyncset.done $0x0  }
0x88: {  	[sflag:s18] =	ssyncadd.s32 $0xFFFFC000  }
0x89: {  	[tilespmem:s15], [sflag:$0x1] =	stream.indirect.gather [hbm4b:s4+s14], $0x80, s23, s14, $0xb8;
	[tilespmem:$0x1C800] =	vst v63  }
0x8a: {  	_ =	swait.ge [sflag:s17], $0x4000  }
0x8b: {  	[sflag:s17] =	ssyncset.done $0x0  }
0x8c: {  	[sflag:s17] =	ssyncadd.s32 $0xFFFFC000  }
0x8d: {  	[spmem:s1] =	stream.indirect.scatter.add.f32 [tilespmem:s16], [sflag:$0x2], $0x80, s24, s14, $0xb8;
	[tilespmem:$0x1C800] =	vst v63  }
0x8e: {  	_ =	swait.ge [sflag:s18], $0x4000  }
0x8f: {  	[sflag:s18] =	ssyncset.done $0x0  }
0x90: {  	[sflag:s18] =	ssyncadd.s32 $0xFFFFC000  }
0x91: {  	[tilespmem:s16], [sflag:$0x1] =	stream.indirect.gather [hbm4b:s4+s14], $0x80, s25, s14, $0xb8;
	[tilespmem:$0x1C800] =	vst v63  }
0x92: {  	_ =	swait.ge [sflag:s17], $0x4000  }
0x93: {  	[sflag:s17] =	ssyncset.done $0x0  }
0x94: {  	[sflag:s17] =	ssyncadd.s32 $0xFFFFC000  }
0x95: {  	[spmem:s1] =	stream.indirect.scatter.add.f32 [tilespmem:s15], [sflag:$0x2], $0x80, s26, s14, $0xb8;
	[tilespmem:$0x1C800] =	vst v63  }
0x96: {  	_ =	swait.ge [sflag:s18], $0x4000  }
0x97: {  	[sflag:s18] =	ssyncset.done $0x0  }
0x98: {  	[sflag:s18] =	ssyncadd.s32 $0xFFFFC000  }
0x99: {  	[tilespmem:s15], [sflag:$0x1] =	stream.indirect.gather [hbm4b:s4+s14], $0x80, s28, s14, $0xb8;
	[tilespmem:$0x1C800] =	vst v63  }
0x9a: {  	_ =	swait.ge [sflag:s17], $0x4000  }
0x9b: {  	[sflag:s17] =	ssyncset.done $0x0  }
0x9c: {  	[sflag:s17] =	ssyncadd.s32 $0xFFFFC000  }
0x9d: {  	[spmem:s1] =	stream.indirect.scatter.add.f32 [tilespmem:s16], [sflag:$0x2], $0x80, s29, s14, $0xb8;
	[tilespmem:$0x1C800] =	vst v63  }
0x9e: {  	_ =	swait.ge [sflag:s18], $0x4000  }
0x9f: {  	[sflag:s18] =	ssyncset.done $0x0  }
0xa0: {  	[sflag:s18] =	ssyncadd.s32 $0xFFFFC000  }
0xa1: {  	[tilespmem:s16], [sflag:$0x1] =	stream.indirect.gather [hbm4b:s4+s14], $0x80, s30, s14, $0xb8;
	[tilespmem:$0x1C800] =	vst v63  }
0xa2: {  	_ =	swait.ge [sflag:s17], $0x4000  }
0xa3: {  	[sflag:s17] =	ssyncset.done $0x0  }
0xa4: {  	[sflag:s17] =	ssyncadd.s32 $0xFFFFC000  }
0xa5: {  	[spmem:s1] =	stream.indirect.scatter.add.f32 [tilespmem:s15], [sflag:$0x2], $0x80, s31, s14, $0xb8;
	[tilespmem:$0x1C800] =	vst v63  }
0xa6: {  	_ =	swait.ge [sflag:s17], $0x4000  }
0xa7: {  	[sflag:s17] =	ssyncset.done $0x0  }
0xa8: {  	[sflag:s17] =	ssyncadd.s32 $0xFFFFC000  }
0xa9: {  	[spmem:s1] =	stream.indirect.scatter.add.f32 [tilespmem:s16], [sflag:$0x2], $0x80, s0, s14, $0xb8;
	[tilespmem:$0x1C800] =	vst v63  }
.Ltmp0:
0xaa: {  	_ =	swait.ge [sflag:s18], $0x4000;
	(pc) =	sbr.rel @p0 .LBB2_2-.Ltmp0, $4  }
0xab: {  	[sflag:s18] =	ssyncset.done $0x0  }
0xac: {  	[sflag:s18] =	ssyncadd.s32 $0xFFFFC000  }
0xad: {  	_ =	swait.ge [sflag:s18], $0x4000  }
0xae: {  	s7 =	smov.u32 s5;
	[sflag:s18] =	ssyncset.done $0x0  }
0xaf: {  	s5 =	sadd.s32 s6, s9;
	[sflag:s18] =	ssyncadd.s32 $0xFFFFC000  }
0xb0: {  	[tilespmem:s3], [sflag:$0x3] =	stream.linear.gather [hbm4b:s5+s3], $0x400, $0x38;
	[tilespmem:$0x1C800] =	vst v63  }
0xb1: {  	_ =	swait.ge [sflag:s12], $0x400  }
0xb2: {  	[sflag:s12] =	ssyncset.done $0x0  }
0xb3: {  	s7 =	sadd.s32 s6, s8;
	[sflag:s12] =	ssyncadd.s32 $0xFFFFFC00  }
0xb4: {  	[tilespmem:s13], [sflag:$0x3] =	stream.linear.gather [hbm4b:s7+s3], $0x400, $0x38;
	[tilespmem:$0x1C800] =	vst v63  }
0xb5: {  	_ =	swait.ge [sflag:s12], $0x400  }
0xb6: {  	[sflag:s12] =	ssyncset.done $0x0  }
0xb7: {  	[sflag:s12] =	ssyncadd.s32 $0xFFFFFC00  }
0xb8: {  	[tilespmem:s15], [sflag:$0x1] =	stream.indirect.gather [hbm4b:s4+s14], $0x80, s3, s14, $0xb8;
	[tilespmem:$0x1C800] =	vst v63  }
0xb9: {  	_ = 	snop  }
0xba: {  	[tilespmem:s16], [sflag:$0x1] =	stream.indirect.gather [hbm4b:s4+s14], $0x80, s14, s14, $0xb8;
	[tilespmem:$0x1C800] =	vst v63  }
0xbb: {  	_ =	swait.ge [sflag:s17], $0x4000  }
0xbc: {  	[sflag:s17] =	ssyncset.done $0x0  }
0xbd: {  	[sflag:s17] =	ssyncadd.s32 $0xFFFFC000  }
0xbe: {  	[spmem:s1] =	stream.indirect.scatter.add.f32 [tilespmem:s15], [sflag:$0x2], $0x80, s13, s14, $0xb8;
	[tilespmem:$0x1C800] =	vst v63  }
0xbf: {  	_ =	swait.ge [sflag:s18], $0x4000  }
0xc0: {  	[sflag:s18] =	ssyncset.done $0x0  }
0xc1: {  	[sflag:s18] =	ssyncadd.s32 $0xFFFFC000  }
0xc2: {  	[tilespmem:s15], [sflag:$0x1] =	stream.indirect.gather [hbm4b:s4+s14], $0x80, s19, s14, $0xb8;
	[tilespmem:$0x1C800] =	vst v63  }
0xc3: {  	_ =	swait.ge [sflag:s17], $0x4000  }
0xc4: {  	[sflag:s17] =	ssyncset.done $0x0  }
0xc5: {  	[sflag:s17] =	ssyncadd.s32 $0xFFFFC000  }
0xc6: {  	[spmem:s1] =	stream.indirect.scatter.add.f32 [tilespmem:s16], [sflag:$0x2], $0x80, s20, s14, $0xb8;
	[tilespmem:$0x1C800] =	vst v63  }
0xc7: {  	_ =	swait.ge [sflag:s18], $0x4000  }
0xc8: {  	[sflag:s18] =	ssyncset.done $0x0  }
0xc9: {  	[sflag:s18] =	ssyncadd.s32 $0xFFFFC000  }
0xca: {  	[tilespmem:s16], [sflag:$0x1] =	stream.indirect.gather [hbm4b:s4+s14], $0x80, s21, s14, $0xb8;
	[tilespmem:$0x1C800] =	vst v63  }
0xcb: {  	_ =	swait.ge [sflag:s17], $0x4000  }
0xcc: {  	[sflag:s17] =	ssyncset.done $0x0  }
0xcd: {  	[sflag:s17] =	ssyncadd.s32 $0xFFFFC000  }
0xce: {  	[spmem:s1] =	stream.indirect.scatter.add.f32 [tilespmem:s15], [sflag:$0x2], $0x80, s22, s14, $0xb8;
	[tilespmem:$0x1C800] =	vst v63  }
0xcf: {  	_ =	swait.ge [sflag:s18], $0x4000  }
0xd0: {  	[sflag:s18] =	ssyncset.done $0x0  }
0xd1: {  	[sflag:s18] =	ssyncadd.s32 $0xFFFFC000  }
0xd2: {  	[tilespmem:s15], [sflag:$0x1] =	stream.indirect.gather [hbm4b:s4+s14], $0x80, s23, s14, $0xb8;
	[tilespmem:$0x1C800] =	vst v63  }
0xd3: {  	_ =	swait.ge [sflag:s17], $0x4000  }
0xd4: {  	[sflag:s17] =	ssyncset.done $0x0  }
0xd5: {  	[sflag:s17] =	ssyncadd.s32 $0xFFFFC000  }
0xd6: {  	[spmem:s1] =	stream.indirect.scatter.add.f32 [tilespmem:s16], [sflag:$0x2], $0x80, s24, s14, $0xb8;
	[tilespmem:$0x1C800] =	vst v63  }
0xd7: {  	_ =	swait.ge [sflag:s18], $0x4000  }
0xd8: {  	[sflag:s18] =	ssyncset.done $0x0  }
0xd9: {  	[sflag:s18] =	ssyncadd.s32 $0xFFFFC000  }
0xda: {  	[tilespmem:s16], [sflag:$0x1] =	stream.indirect.gather [hbm4b:s4+s14], $0x80, s25, s14, $0xb8;
	[tilespmem:$0x1C800] =	vst v63  }
0xdb: {  	_ =	swait.ge [sflag:s17], $0x4000  }
0xdc: {  	[sflag:s17] =	ssyncset.done $0x0  }
0xdd: {  	[sflag:s17] =	ssyncadd.s32 $0xFFFFC000  }
0xde: {  	[spmem:s1] =	stream.indirect.scatter.add.f32 [tilespmem:s15], [sflag:$0x2], $0x80, s26, s14, $0xb8;
	[tilespmem:$0x1C800] =	vst v63  }
0xdf: {  	_ =	swait.ge [sflag:s18], $0x4000  }
0xe0: {  	[sflag:s18] =	ssyncset.done $0x0  }
0xe1: {  	[sflag:s18] =	ssyncadd.s32 $0xFFFFC000  }
0xe2: {  	[tilespmem:s15], [sflag:$0x1] =	stream.indirect.gather [hbm4b:s4+s14], $0x80, s28, s14, $0xb8;
	[tilespmem:$0x1C800] =	vst v63  }
0xe3: {  	_ =	swait.ge [sflag:s17], $0x4000  }
0xe4: {  	[sflag:s17] =	ssyncset.done $0x0  }
0xe5: {  	[sflag:s17] =	ssyncadd.s32 $0xFFFFC000  }
0xe6: {  	[spmem:s1] =	stream.indirect.scatter.add.f32 [tilespmem:s16], [sflag:$0x2], $0x80, s29, s14, $0xb8;
	[tilespmem:$0x1C800] =	vst v63  }
0xe7: {  	_ =	swait.ge [sflag:s18], $0x4000  }
0xe8: {  	[sflag:s18] =	ssyncset.done $0x0  }
0xe9: {  	[sflag:s18] =	ssyncadd.s32 $0xFFFFC000  }
0xea: {  	[tilespmem:s16], [sflag:$0x1] =	stream.indirect.gather [hbm4b:s4+s14], $0x80, s30, s14, $0xb8;
	[tilespmem:$0x1C800] =	vst v63  }
0xeb: {  	_ =	swait.ge [sflag:s17], $0x4000  }
0xec: {  	[sflag:s17] =	ssyncset.done $0x0  }
0xed: {  	[sflag:s17] =	ssyncadd.s32 $0xFFFFC000  }
0xee: {  	[spmem:s1] =	stream.indirect.scatter.add.f32 [tilespmem:s15], [sflag:$0x2], $0x80, s31, s14, $0xb8;
	[tilespmem:$0x1C800] =	vst v63  }
0xef: {  	_ =	swait.ge [sflag:s17], $0x4000  }
0xf0: {  	[sflag:s17] =	ssyncset.done $0x0  }
0xf1: {  	[sflag:s17] =	ssyncadd.s32 $0xFFFFC000  }
0xf2: {  	[spmem:s1] =	stream.indirect.scatter.add.f32 [tilespmem:s16], [sflag:$0x2], $0x80, s0, s14, $0xb8;
	[tilespmem:$0x1C800] =	vst v63  }
0xf3: {  	_ =	swait.ge [sflag:s18], $0x4000  }
0xf4: {  	[sflag:s18] =	ssyncset.done $0x0  }
0xf5: {  	[sflag:s18] =	ssyncadd.s32 $0xFFFFC000  }
0xf6: {  	_ =	swait.ge [sflag:s18], $0x4000  }
0xf7: {  	[sflag:s18] =	ssyncset.done $0x0  }
0xf8: {  	[sflag:s18] =	ssyncadd.s32 $0xFFFFC000  }
0xf9: {  	[bflag:$0x0] =	sbarrier.arrive $0xFFFF  }
0xfa: {  	s10 =	rddreg [dreg:$0x5]  }
0xfb: {  	s6 =	rddreg [dreg:$0x7]  }
0xfc: {  	s7 =	rddreg [dreg:$0x8]  }
0xfd: {  	[hbm:s10], [sflag:s6] =	dma.local [spmem:s7], $0x2800  }
0xfe: {  	_ =	swait.ge [sflag:s12], $0x2800  }
0xff: {  	s2 =	sadd.s32 $0x1, s2;
	s11 =	rddreg [dreg:$0x6]  }
0x100: {  	p0 =	sne.s32 s2, s11  }
.Ltmp1:
0x101: {  	_ = 	snop;
	(pc) =	sbr.rel @p0 .LBB2_1-.Ltmp1, $3  }
0x102: {  	_ =	sdelay $0x1  }
0x103: {  	[sflag:s12] =	ssyncset.done $0x0  }
0x104: {  	[sflag:s12] =	ssyncadd.s32 $0xFFFFD800  }
0x105: {  	_ =	sfence.sel $0x180000  }
0x106: {  	[bflag:$0x0] =	sbarrier.arrive $0xFFFF  }
0x107: {  	_ =	strace $0x9000004A  }
0x108: {  	s0 =	stileid.u32;
	[bflag:$0x2] =	sbarrier.arrive $0xFFFF  }
0x109: {  	p0 =	sne.s32 s0, $0x0;
	s0 =	rddreg [dreg:$0x3]  }
0x10a: {  	s0 =	sadd.s32 @!p0 $0x100000, s0  }
0x10b: {  	[sflag:s0] =	ssyncadd.tile.s32 @!p0 $0x1;
	_ =	shalt  }
.Lfunc_end2:
_tile_overlayer_lowered:
.L_overlay_start_2:
0x10c: {  	(tag) =	ssettag $0x2  }
0x10d: {  	s0 =	rddreg [dreg:$0x0];
	s2 =	stileid.u32  }
0x10e: {  	s1 =	rddreg [dreg:$0x1];
	p0 =	sne.s32 s2, $0x0  }
0x10f: {  	s3 =	rddreg [dreg:$0x2];
	[bflag:$0x3] =	sbarrier.arrive $0xFFFF;
	s2 =	simm.s32 @!p0 $0x1C03  }
0x110: {  	[timem:s3], [sflag:s2] =	dma.local @!p0 [hbm:s0], s1  }
0x111: {  	s0 =	simm.s32 @!p0 $0x3  }
0x112: {  	_ =	swait.ge @!p0 [sflag:s0], s1  }
0x113: {  	s1 =	ssub.s32 @!p0 $0x0, s1;
	[sflag:s0] =	ssyncset.done @!p0 $0x0  }
0x114: {  	[sflag:s0] =	ssyncadd.s32 @!p0 s1  }
0x115: {  	[bflag:$0x3] =	sbarrier.arrive $0xFFFF  }
0x116: {  	_ =	shalt  }

// kernel: kernel.14.cloned.1.call-start
scs
__scs_entry_jumppad:
0x0: {  	(pc) =	sbr.rel $0x88, $3  }
0x1: {  	(tag) =	ssettag $0x0;
	lr =	simm.s32 $0x1  }
0x2: {  	[smem:$0x3F91] =	sst lr;
	_ =	strace $0xD0000000  }
0x3: {  	_ = 	snop  }
0x4: {  	_ = 	snop  }
0x5: {  	_ = 	snop  }
0x6: {  	_ = 	snop  }
0x7: {  	_ = 	snop  }
__scs_overlays_trampoline_lowered:
0x8: {  	[smem:$0x3FA0] =	sst s0  }
0x9: {  	[smem:$0x3FA1] =	sst s1  }
0xa: {  	[smem:$0x3FA2] =	sst s2  }
0xb: {  	[smem:$0x3FA3] =	sst s3  }
0xc: {  	[smem:$0x3FA4] =	sst s4  }
0xd: {  	[smem:$0x3FA5] =	sst s5  }
0xe: {  	[smem:$0x3FA6] =	sst s6  }
0xf: {  	[smem:$0x3FA7] =	sst s7  }
0x10: {  	[smem:$0x3FA8] =	sst s8  }
0x11: {  	[smem:$0x3FA9] =	sst s9;
	s0 =	simm.s32 @!p0 $0x0  }
0x12: {  	s1 =	sld [smem:$0x3F8F];
	s0 =	simm.s32 @p0 $0x1  }
0x13: {  	[smem:$0x3FAA] =	sst s0;
	s0 =	simm.s32 @!p1 $0x0  }
0x14: {  	s2 =	sld [smem:$0x3F8E];
	s0 =	simm.s32 @p1 $0x1  }
0x15: {  	[smem:$0x3FAB] =	sst s0;
	s0 =	simm.s32 @!p2 $0x0  }
0x16: {  	s3 =	sld [smem:$0x3FDB];
	s0 =	simm.s32 @p2 $0x1  }
0x17: {  	s4 =	simm.s32 $0x1BF5;
	[smem:$0x3FAD] =	sst s0  }
0x18: {  	s0 =	sld [smem:$0x3F90];
	_ =	swait.ge [sflag:s4], $0x0  }
0x19: {  	s7 =	sld [smem:$0x3F91]  }
0x1a: {  	s8 =	sadd.s32 $0xFFFFE003, lr  }
0x1b: {  	s9 =	sadd.s32 $0xFFFFFEF7, lr;
	s5 =	simm.s32 $0xFFFFFFFF;
	p2 =	slt.u32 s8, $0xFFFFF086  }
0x1c: {  	p1 =	slt.u32 s9, $0xF7A;
	s5 =	simm.s32 @!p2 $0x0  }
0x1d: {  	s5 =	simm.s32 @p1 $0x1;
	p0 =	seq.s32 s7, s2  }
0x1e: {  	s7 =	smul.u32 @!p0 $0xF7A, s2;
	p2 =	seq.s32 @!p0 s5, $0x0  }
0x1f: {  	s9 =	smul.u32 $0xF7A, s1;
	s8 =	simm.s32 @!p0 $0x1BF5;
	p2 =	por !p2, p0  }
0x20: {  	[sflag:s8] =	ssyncset.s32 @!p0 $0xFFFFF086;
	s6 =	sadd.s32 @!p0 s3, s7;
	s7 =	simm.s32 @!p0 $0x108  }
0x21: {  	s3 =	sadd.s32 s3, s9;
	s6 =	sadd.s32 @!p0 $0x88, s6;
	s7 =	simm.s32 @p2 $0x1082  }
0x22: {  	[simem:s7], [sflag:s8] =	dma.local @!p0 [hbm:s6], $0xF7A  }
0x23: {  	s9 =	sor.u32 $0xD0000000, s2;
	s6 =	simm.s32 $0x108;
	_ =	swait.ge @!p0 [sflag:s8], $0x0  }
0x24: {  	s3 =	sadd.s32 $0x88, s3;
	s6 =	simm.s32 @!p1 $0x1082;
	[sflag:s4] =	ssyncset.s32 $0xFFFFF086  }
0x25: {  	[simem:s6], [sflag:s4] =	dma.local [hbm:s3], $0xF7A  }
0x26: {  	[smem:$0x3F91] =	sst s1;
	(tag) =	ssettag s2;
	_ =	strace s9  }
0x27: {  	s1 =	sld [smem:$0x3FA1]  }
0x28: {  	s2 =	sld [smem:$0x3FA2]  }
0x29: {  	s4 =	sld [smem:$0x3FA4]  }
0x2a: {  	p0 =	seq.s32 s5, $0x0;
	s5 =	sld [smem:$0x3FA5]  }
0x2b: {  	s6 =	sld [smem:$0x3FA6]  }
0x2c: {  	s7 =	sld [smem:$0x3FA7]  }
0x2d: {  	s3 =	simm.s32 $0x108;
	s8 =	sld [smem:$0x3FA8]  }
0x2e: {  	s3 =	simm.s32 @!p0 $0x1082;
	s9 =	sld [smem:$0x3FA9]  }
0x2f: {  	lr =	sadd.s32 s0, s3;
	s0 =	sld [smem:$0x3FA0]  }
0x30: {  	s3 =	sld [smem:$0x3FA3]  }
0x31: {  	[smem:$0x3FAC] =	sst s10  }
0x32: {  	s10 =	sld [smem:$0x3FAA];
	_ =	sdelay $0x3  }
0x33: {  	p0 =	seq.s32 s10, $0x1;
	s10 =	sld [smem:$0x3FAC];
	_ =	sdelay $0x3  }
0x34: {  	[smem:$0x3FAC] =	sst s10  }
0x35: {  	s10 =	sld [smem:$0x3FAB];
	_ =	sdelay $0x3  }
0x36: {  	p1 =	seq.s32 s10, $0x1;
	s10 =	sld [smem:$0x3FAC];
	_ =	sdelay $0x3  }
0x37: {  	[smem:$0x3FAC] =	sst s10  }
0x38: {  	s10 =	sld [smem:$0x3FAD]  }
0x39: {  	_ = 	snop;
	(pc) =	sbr.ind lr, $3  }
0x3a: {  	_ = 	snop  }
0x3b: {  	_ = 	snop  }
0x3c: {  	p2 =	seq.s32 s10, $0x1;
	s10 =	sld [smem:$0x3FAC]  }
0x3d: {  	_ =	shalt  }
0x3e: {  	_ =	shalt  }
0x3f: {  	_ =	shalt  }
0x40: {  	_ =	shalt  }
0x41: {  	_ =	shalt  }
0x42: {  	_ =	shalt  }
0x43: {  	_ =	shalt  }
0x44: {  	_ =	shalt  }
0x45: {  	_ =	shalt  }
0x46: {  	_ =	shalt  }
0x47: {  	_ =	shalt  }
0x48: {  	_ =	shalt  }
0x49: {  	_ =	shalt  }
0x4a: {  	_ =	shalt  }
0x4b: {  	_ =	shalt  }
0x4c: {  	_ =	shalt  }
0x4d: {  	_ =	shalt  }
0x4e: {  	_ =	shalt  }
0x4f: {  	_ =	shalt  }
0x50: {  	_ =	shalt  }
0x51: {  	_ =	shalt  }
0x52: {  	_ =	shalt  }
0x53: {  	_ =	shalt  }
0x54: {  	_ =	shalt  }
0x55: {  	_ =	shalt  }
0x56: {  	_ =	shalt  }
0x57: {  	_ =	shalt  }
0x58: {  	_ =	shalt  }
0x59: {  	_ =	shalt  }
0x5a: {  	_ =	shalt  }
0x5b: {  	_ =	shalt  }
0x5c: {  	_ =	shalt  }
0x5d: {  	_ =	shalt  }
0x5e: {  	_ =	shalt  }
0x5f: {  	_ =	shalt  }
0x60: {  	_ =	shalt  }
0x61: {  	_ =	shalt  }
0x62: {  	_ =	shalt  }
0x63: {  	_ =	shalt  }
0x64: {  	_ =	shalt  }
0x65: {  	_ =	shalt  }
0x66: {  	_ =	shalt  }
0x67: {  	_ =	shalt  }
0x68: {  	_ =	shalt  }
0x69: {  	_ =	shalt  }
0x6a: {  	_ =	shalt  }
0x6b: {  	_ =	shalt  }
0x6c: {  	_ =	shalt  }
0x6d: {  	_ =	shalt  }
0x6e: {  	_ =	shalt  }
0x6f: {  	_ =	shalt  }
0x70: {  	_ =	shalt  }
0x71: {  	_ =	shalt  }
0x72: {  	_ =	shalt  }
0x73: {  	_ =	shalt  }
0x74: {  	_ =	shalt  }
0x75: {  	_ =	shalt  }
0x76: {  	_ =	shalt  }
0x77: {  	_ =	shalt  }
0x78: {  	_ =	shalt  }
0x79: {  	_ =	shalt  }
0x7a: {  	_ =	shalt  }
0x7b: {  	_ =	shalt  }
0x7c: {  	_ =	shalt  }
0x7d: {  	_ =	shalt  }
0x7e: {  	_ =	shalt  }
0x7f: {  	_ =	shalt  }
0x80: {  	_ =	shalt  }
0x81: {  	_ =	shalt  }
0x82: {  	_ =	shalt  }
0x83: {  	_ =	shalt  }
0x84: {  	_ =	shalt  }
0x85: {  	_ =	shalt  }
0x86: {  	_ =	shalt  }
0x87: {  	_ =	shalt  }
.Lfunc_end0:
.L_simem_size_0:
called_computation.2_lowered:
.L_overlay_start_0:
0x88: {  	s2 =	sld [smem:$0x3FD9]  }
0x89: {  	s3 =	sld [smem:$0x3FFE];
	_ =	sdelay $0x1  }
0x8a: {  	s1 =	srdreg.scid  }
0x8b: {  	s0 =	sand.u32 $0x1, s1  }
0x8c: {  	s14 =	sshll.u32 s0, $0xA;
	s2 =	sadd.s32 s3, s2  }
0x8d: {  	s2 =	sadd.s32 s2, s14  }
0x8e: {  	[smem:$0x3FB8] =	sst s2  }
0x8f: {  	_ = 	snop  }
0x90: {  	s2 =	sld [smem:$0x3FD0];
	_ =	sdelay $0x2  }
0x91: {  	s15 =	simm.s32 $0xA;
	s4 =	simm.s32 $0x10  }
0x92: {  	[smem:s4], [sflag:s15] =	dma.local [hbm:s2], $0x1  }
0x93: {  	_ =	swait.eq [sflag:s15], $0x1  }
0x94: {  	[sflag:s15] =	ssyncset.done $0x0  }
0x95: {  	[sflag:s15] =	ssyncadd.s32 $0xFFFFFFFF  }
0x96: {  	s16 =	sld [smem:$0x10];
	(tm) =	ssettm $0x1  }
0x97: {  	s17 =	sld [smem:$0x3FFB];
	_ =	sdelay $0x3  }
0x98: {  	_ =	strace s17  }
0x99: {  	s3 =	sld [smem:$0x3FFC];
	_ =	sdelay $0x3  }
0x9a: {  	_ =	strace s3  }
0x9b: {  	s3 =	sld [smem:$0x3FFD];
	_ =	sdelay $0x3  }
0x9c: {  	_ =	strace s3  }
0x9d: {  	_ =	strace $0x8FFFFFFF  }
0x9e: {  	s18 =	sld [smem:$0x3FDB];
	_ =	sdelay $0x1  }
0x9f: {  	s19 =	simm.s32 $_scs_section_size  }
0xa0: {  	s5 =	simm.s32 $_size__tile_overlayer_lowered;
	s6 =	simm.s32 $_tile_overlayer_lowered  }
0xa1: {  	s22 =	simm.s32 $0x1BFF;
	s21 =	sshll.u32 s6, $0x1;
	s3 =	sadd.s32 s19, s18  }
0xa2: {  	s7 =	simm.s32 $0x0;
	s20 =	sshll.u32 s5, $0x1;
	s5 =	sadd.s32 s21, s3  }
0xa3: {  	[timem:s7], [sflag:s22] =	dma.local [hbm:s5], s20  }
0xa4: {  	_ =	swait.ge [sflag:s22], s20  }
0xa5: {  	s4 =	ssub.s32 $0x0, s20;
	[sflag:s22] =	ssyncset.done $0x0  }
0xa6: {  	[sflag:s22] =	ssyncadd.s32 s4;
	_ =	sdelay $0x1  }
0xa7: {  	s23 =	simm.s32 $0x1B8B  }
0xa8: {  	_ =	swait.ge [sflag:s23], $0x1  }
0xa9: {  	[sflag:s23] =	ssyncset.done $0x0  }
0xaa: {  	s25 =	simm.s32 $0x1B8E;
	s24 =	sld [smem:$0x3FFE];
	[sflag:s23] =	ssyncadd.s32 $0xFFFFFFFF  }
0xab: {  	s26 =	simm.s32 $execute0_lowered;
	[smem:$0x3FD2] =	sst s25  }
0xac: {  	s5 =	sshll.u32 s26, $0x1;
	_ =	strace $0x8000004C;
	[dreg:$0x1] =	wrdreg $0xFFFFFFFF  }
0xad: {  	s28 =	simm.s32 $_size_execute0_lowered;
	s3 =	sadd.s32 s3, s5;
	[dreg:$0x0] =	wrdreg $0x0  }
0xae: {  	s5 =	sshll.u32 s28, $0x1;
	[dreg:$0x2] =	wrdreg s3  }
0xaf: {  	[dreg:$0x3] =	wrdreg s5  }
0xb0: {  	[dreg:$0x4] =	wrdreg $0xC0  }
0xb1: {  	_ =	task [dreg:s7], $0x5FFFF  }
0xb2: {  	[dreg:$0x1] =	wrdreg $0xFFFFFFFF  }
0xb3: {  	[dreg:$0x0] =	wrdreg $0x60  }
0xb4: {  	[dreg:$0x2] =	wrdreg s24  }
0xb5: {  	[dreg:$0x3] =	wrdreg s16  }
0xb6: {  	[dreg:$0x4] =	wrdreg $0x5A000  }
0xb7: {  	[dreg:$0x5] =	wrdreg $0x5C800  }
0xb8: {  	[dreg:$0x6] =	wrdreg $0x9  }
0xb9: {  	_ =	task.clear_ibuf [dreg:s7], $0x7FFFF;
	_ =	strace $0x9000004C  }
0xba: {  	s29 =	simm.s32 $0x9;
	_ =	strace $0x8000004E  }
0xbb: {  	_ =	swait.ge [sflag:s29], $0x1  }
0xbc: {  	[sflag:s29] =	ssyncadd.s32 $0xFFFFFFFF  }
0xbd: {  	_ =	strace $0x9000004E  }
0xbe: {  	_ =	sfence  }
0xbf: {  	s30 =	sld [smem:$0x0];
	_ =	sdelay $0x2  }
0xc0: {  	s31 =	sshll.u32 s1, $0xD;
	s1 =	sshrl.u32 s1, $0x2  }
0xc1: {  	s3 =	sand.u32 $0x4000, s31;
	s1 =	sadd.s32 s1, s30  }
0xc2: {  	s0 =	sor.u32 s3, s0;
	s1 =	sshll.u32 s1, $0x11  }
0xc3: {  	s0 =	sor.u32 s1, s0  }
0xc4: {  	s0 =	sadd.s32 $0x8F2B, s0  }
0xc5: {  	[sflag:s0] =	ssyncadd.remote.s32 $0x1  }
0xc6: {  	_ =	sfence.sel $0xFFFF  }
0xc7: {  	[dreg:$0x0] =	wrdreg $0xFFFFFFFF;
	(pc) =	sbr.abs _section_cstart, $3  }
0xc8: {  	[dreg:$0x1] =	wrdreg $0xFFFFFFFF  }
0xc9: {  	_ =	task.clear_ibuf [dreg:s7], $0x2FFFF;
	_ =	strace $0x9FFFFFFF  }
0xca: {  	(tm) =	ssettm $0x7FFFFFFF  }
0xcb: {  	_ =	shalt  }
tec
execute0_lowered:
.L_overlay_start_1:
0x0: {  	(tag) =	ssettag $0x1  }
0x1: {  	s0 =	rddreg [dreg:$0x0]  }
0x2: {  	s10 =	rddreg [dreg:$0x1]  }
0x3: {  	s1 =	rddreg [dreg:$0x2]  }
0x4: {  	s2 =	rddreg [dreg:$0x3]  }
0x5: {  	s3 =	simm.s32 $0x0;
	s6 =	srdreg.scid;
	s4 =	stileid.u32  }
0x6: {  	s17 =	simm.s32 $0x10;
	s18 =	simm.s32 $0x20;
	s19 =	simm.s32 $0x2  }
0x7: {  	s22 =	simm.s32 $0x80;
	s23 =	simm.s32 $0x100;
	s24 =	simm.s32 $0x800  }
0x8: {  	s25 =	simm.s32 $0x3000;
	s28 =	simm.s32 $0x5900;
	s29 =	simm.s32 $0x0  }
0x9: {  	[smem:$0x7FF] =	sst s3;
	s5 =	sadd.s32 $0x2600, s0;
	s8 =	sand.u32 $0x1, s6  }
0xa: {  	s6 =	sadd.s32 $0x16800, s0;
	s11 =	smul.u32 $0x280, s4;
	s7 =	sadd.s32 $0xC800, s0  }
0xb: {  	s20 =	smul.u32 $0xA0, s4;
	s31 =	sshll.u32 s4, $0x6;
	_ =	strace $0x8000004D  }
0xc: {  	s9 =	ssub.s32 $0x2, s8;
	s13 =	smul.u32 $0x5000, s8;
	s8 =	sshll.u32 s8, $0x4  }
0xd: {  	s12 =	sshrl.u32 s9, $0x1;
	s26 =	sor.u32 s4, s8;
	s15 =	sadd.s32 s11, s1  }
0xe: {  	s8 =	smov.u32 s5;
	s5 =	sadd.s32 s5, s20;
	s21 =	sadd.s32 s11, s2  }
0xf: {  	s14 =	ssub.s32 s9, s12;
	s30 =	sadd.s32 s11, s13;
	[dreg:$0x5] =	wrdreg s5  }
0x10: {  	v0 =	vlaneseq.u32;
	s9 =	sor.u32 $0x1C02, s31;
	s11 =	sadd.s32 $0x2610, s0;
	s12 =	smul.u32 $0xA, s26  }
0x11: {  	v1 =	vor.u32 $0x10, v0;
	s15 =	sshrl.u32 s15, $0x3;
	s21 =	sshrl.u32 s21, $0x3;
	s16 =	sshrl.u32 s30, $0x3  }
0x12: {  	v2 =	vor.u32 $0x20, v0;
	v3 =	vor.u32 $0x30, v0;
	v4 =	vor.u32 $0x40, v0;
	s26 =	simm.s32 $0x5800;
	s14 =	smax.u32 s14, $0x1;
	s10 =	sadd.s32 s10, s16  }
0x13: {  	v5 =	vor.u32 $0x50, v0;
	v6 =	vor.u32 $0x60, v0;
	v7 =	vor.u32 $0x70, v0;
	s20 =	sadd.s32 s20, s11;
	s16 =	simm.s32 $0x1;
	s13 =	sadd.s32 $0x500, s10  }
.LBB2_1:
0x14: {  	s0 =	rddreg [dreg:$0x5]  }
0x15: {  	[spmem:s15@s17], [sflag:s9] =	dma.strided [hbm:s0@s18], $0x50, s16, $0x10   }
0x16: {  	_ =	swait.ge [sflag:s19], $0x50  }
0x17: {  	[sflag:s19] =	ssyncset.done $0x0  }
0x18: {  	[sflag:s19] =	ssyncadd.s32 $0xFFFFFFB0  }
0x19: {  	[spmem:s21@s17], [sflag:s9] =	dma.strided [hbm:s20@s18], $0x50, s16, $0x10   }
0x1a: {  	_ =	swait.ge [sflag:s19], $0x50  }
0x1b: {  	[sflag:s19] =	ssyncset.done $0x0  }
0x1c: {  	[sflag:s19] =	ssyncadd.s32 $0xFFFFFFB0  }
0x1d: {  	[tilespmem:s24], [sflag:$0x2] =	stream.strided.gather [hbm4b:s8+s22], $0x2800, s23, s22, $0x38;
	[tilespmem:$0x5F00] =	vst v63  }
0x1e: {  	_ =	swait.ge [sflag:s19], $0x2800  }
0x1f: {  	[sflag:s19] =	ssyncset.done $0x0  }
0x20: {  	[sflag:s19] =	ssyncadd.s32 $0xFFFFD800  }
0x21: {  	[tilespmem:s25], [sflag:$0x2] =	stream.strided.gather [hbm4b:s11+s22], $0x2800, s23, s22, $0x38;
	[tilespmem:$0x5F00] =	vst v63  }
0x22: {  	_ =	swait.ge [sflag:s19], $0x2800  }
0x23: {  	[sflag:s19] =	ssyncset.done $0x0  }
0x24: {  	[sflag:s19] =	ssyncadd.s32 $0xFFFFD800  }
0x25: {  	s30 =	simm.s32 $0x0;
	[bflag:$0x0] =	sbarrier.arrive $0xFFFF  }
.LBB2_2:
0x26: {  	s0 =	sadd.s32 s12, s30  }
0x27: {  	s0 =	sshll.u32 s0, $0x7  }
0x28: {  	s31 =	simm.s32 $0x0;
	s4 =	sadd.s32 s6, s0  }
0x29: {  	[tilespmem:s31], [sflag:$0x2] =	stream.linear.gather [hbm4b:s4+s31], $0x400, $0x38;
	[tilespmem:$0x5F00] =	vst v63  }
0x2a: {  	_ =	swait.ge [sflag:s19], $0x400  }
0x2b: {  	[sflag:s19] =	ssyncset.done $0x0  }
0x2c: {  	s5 =	sadd.s32 s7, s0;
	s0 =	simm.s32 $0x400;
	[sflag:s19] =	ssyncadd.s32 $0xFFFFFC00  }
0x2d: {  	[tilespmem:s0], [sflag:$0x2] =	stream.linear.gather [hbm4b:s5+s31], $0x400, $0x38;
	[tilespmem:$0x5F00] =	vst v63  }
0x2e: {  	_ =	swait.ge [sflag:s19], $0x400  }
0x2f: {  	[sflag:s19] =	ssyncset.done $0x0  }
0x30: {  	[sflag:s19] =	ssyncadd.s32 $0xFFFFFC00  }
.LBB2_3:
0x31: {  	p0 =	slt.u32 s31, $0x2  }
0x32: {  	s4 =	simm.s32 @!p0 $0x1  }
0x33: {  	s5 =	sshll.u32 s31, $0x7;
	_ =	swait.ge @!p0 [sflag:s4], $0x80  }
0x34: {  	v8 =	vor.u32 s5, v0;
	[sflag:s4] =	ssyncset.done @!p0 $0x0  }
0x35: {  	[sflag:s4] =	ssyncadd.s32 @!p0 $0xFFFFFF80  }
0x36: {  	_ =	swait.ge @!p0 [sflag:s4], $0x80  }
0x37: {  	[sflag:s4] =	ssyncset.done @!p0 $0x0  }
0x38: {  	[sflag:s4] =	ssyncadd.s32 @!p0 $0xFFFFFF80  }
0x39: {  	v8 =	vld.idx.msk [tilespmem:v8+s3+$0x0], $0xffff;
	_ =	sdelay $0x5  }
0x3a: {  	s4 =	sand.u32 $0x1, s31  }
0x3b: {  	s4 =	sshll.u32 s4, $0x7  }
0x3c: {  	v10 =	vor.u32 s4, v0;
	v9 =	vld.idx.msk [tilespmem:v8+s24+$0x0], $0xffff  }
0x3d: {  	v8 =	vld.idx.msk [tilespmem:v8+s25+$0x0], $0xffff  }
0x3e: {  	v11 =	vor.u32 s5, v1;
	_ =	sdelay $0x2  }
0x3f: {  	[tilespmem:v10+s26+$0x0] =	vst.idx.msk $0xffff, v9  }
0x40: {  	[tilespmem:v10+s28+$0x0] =	vst.idx.msk $0xffff, v8  }
0x41: {  	v8 =	vld.idx.msk [tilespmem:v11+s3+$0x0], $0xffff;
	_ =	sdelay $0x7  }
0x42: {  	v51 =	vor.u32 s4, v1;
	v9 =	vld.idx.msk [tilespmem:v8+s24+$0x0], $0xffff  }
0x43: {  	v8 =	vld.idx.msk [tilespmem:v8+s25+$0x0], $0xffff  }
0x44: {  	v52 =	vor.u32 s5, v2;
	_ =	sdelay $0x2  }
0x45: {  	[tilespmem:v51+s26+$0x0] =	vst.idx.msk $0xffff, v9  }
0x46: {  	[tilespmem:v51+s28+$0x0] =	vst.idx.msk $0xffff, v8  }
0x47: {  	v8 =	vld.idx.msk [tilespmem:v52+s3+$0x0], $0xffff;
	_ =	sdelay $0x7  }
0x48: {  	v53 =	vor.u32 s4, v2;
	v9 =	vld.idx.msk [tilespmem:v8+s24+$0x0], $0xffff  }
0x49: {  	v8 =	vld.idx.msk [tilespmem:v8+s25+$0x0], $0xffff  }
0x4a: {  	v54 =	vor.u32 s5, v3;
	_ =	sdelay $0x2  }
0x4b: {  	[tilespmem:v53+s26+$0x0] =	vst.idx.msk $0xffff, v9  }
0x4c: {  	[tilespmem:v53+s28+$0x0] =	vst.idx.msk $0xffff, v8  }
0x4d: {  	v8 =	vld.idx.msk [tilespmem:v54+s3+$0x0], $0xffff;
	_ =	sdelay $0x7  }
0x4e: {  	v55 =	vor.u32 s4, v3;
	v9 =	vld.idx.msk [tilespmem:v8+s24+$0x0], $0xffff  }
0x4f: {  	v8 =	vld.idx.msk [tilespmem:v8+s25+$0x0], $0xffff  }
0x50: {  	v56 =	vor.u32 s5, v4;
	_ =	sdelay $0x2  }
0x51: {  	[tilespmem:v55+s26+$0x0] =	vst.idx.msk $0xffff, v9  }
0x52: {  	[tilespmem:v55+s28+$0x0] =	vst.idx.msk $0xffff, v8  }
0x53: {  	v8 =	vld.idx.msk [tilespmem:v56+s3+$0x0], $0xffff;
	_ =	sdelay $0x7  }
0x54: {  	v57 =	vor.u32 s4, v4;
	v9 =	vld.idx.msk [tilespmem:v8+s24+$0x0], $0xffff  }
0x55: {  	v8 =	vld.idx.msk [tilespmem:v8+s25+$0x0], $0xffff  }
0x56: {  	v58 =	vor.u32 s5, v5;
	_ =	sdelay $0x2  }
0x57: {  	[tilespmem:v57+s26+$0x0] =	vst.idx.msk $0xffff, v9  }
0x58: {  	[tilespmem:v57+s28+$0x0] =	vst.idx.msk $0xffff, v8  }
0x59: {  	v8 =	vld.idx.msk [tilespmem:v58+s3+$0x0], $0xffff;
	_ =	sdelay $0x7  }
0x5a: {  	v59 =	vor.u32 s4, v5;
	v9 =	vld.idx.msk [tilespmem:v8+s24+$0x0], $0xffff  }
0x5b: {  	v8 =	vld.idx.msk [tilespmem:v8+s25+$0x0], $0xffff  }
0x5c: {  	v60 =	vor.u32 s5, v6;
	_ =	sdelay $0x2  }
0x5d: {  	[tilespmem:v59+s26+$0x0] =	vst.idx.msk $0xffff, v9  }
0x5e: {  	[tilespmem:v59+s28+$0x0] =	vst.idx.msk $0xffff, v8  }
0x5f: {  	v8 =	vld.idx.msk [tilespmem:v60+s3+$0x0], $0xffff;
	_ =	sdelay $0x7  }
0x60: {  	v61 =	vor.u32 s4, v6;
	v9 =	vld.idx.msk [tilespmem:v8+s24+$0x0], $0xffff  }
0x61: {  	v8 =	vld.idx.msk [tilespmem:v8+s25+$0x0], $0xffff  }
0x62: {  	v62 =	vor.u32 s5, v7;
	_ =	sdelay $0x2  }
0x63: {  	[tilespmem:v61+s26+$0x0] =	vst.idx.msk $0xffff, v9  }
0x64: {  	[tilespmem:v61+s28+$0x0] =	vst.idx.msk $0xffff, v8  }
0x65: {  	v8 =	vld.idx.msk [tilespmem:v62+s3+$0x0], $0xffff;
	_ =	sdelay $0x7  }
0x66: {  	v63 =	vor.u32 s4, v7;
	v9 =	vld.idx.msk [tilespmem:v8+s24+$0x0], $0xffff  }
0x67: {  	v8 =	vld.idx.msk [tilespmem:v8+s25+$0x0], $0xffff;
	_ =	sdelay $0x2  }
0x68: {  	s31 =	sadd.s32 $0x1, s31  }
0x69: {  	p0 =	sne.s32 s31, $0x8;
	[tilespmem:v63+s26+$0x0] =	vst.idx.msk $0xffff, v9  }
.Ltmp0:
0x6a: {  	s5 =	sor.u32 $0x5800, s4;
	[tilespmem:v63+s28+$0x0] =	vst.idx.msk $0xffff, v8;
	(pc) =	sbr.rel @p0 .LBB2_3-.Ltmp0, $4  }
0x6b: {  	[spmem:s1] =	stream.indirect.scatter.add.f32 [tilespmem:s5], [sflag:$0x1], $0x1, s0, s22, $0xb8;
	[tilespmem:$0x5F00] =	vst v63  }
0x6c: {  	s4 =	sor.u32 $0x5900, s4  }
0x6d: {  	[spmem:s2] =	stream.indirect.scatter.add.f32 [tilespmem:s4], [sflag:$0x1], $0x1, s0, s22, $0xb8;
	[tilespmem:$0x5F00] =	vst v63  }
0x6e: {  	s0 =	sadd.s32 $0x80, s0  }
0x6f: {  	_ =	swait.ge [sflag:s16], $0x80  }
0x70: {  	[sflag:s16] =	ssyncset.done $0x0  }
0x71: {  	[sflag:s16] =	ssyncadd.s32 $0xFFFFFF80  }
0x72: {  	_ =	swait.ge [sflag:s16], $0x80  }
0x73: {  	[sflag:s16] =	ssyncset.done $0x0  }
0x74: {  	s30 =	sadd.s32 $0x1, s30;
	[sflag:s16] =	ssyncadd.s32 $0xFFFFFF80  }
0x75: {  	p0 =	sne.s32 s30, $0xA;
	_ =	swait.ge [sflag:s16], $0x80  }
.Ltmp1:
0x76: {  	[sflag:s16] =	ssyncset.done $0x0;
	(pc) =	sbr.rel @p0 .LBB2_2-.Ltmp1, $4  }
0x77: {  	[sflag:s16] =	ssyncadd.s32 $0xFFFFFF80  }
0x78: {  	_ =	swait.ge [sflag:s16], $0x80  }
0x79: {  	[sflag:s16] =	ssyncset.done $0x0  }
0x7a: {  	[sflag:s16] =	ssyncadd.s32 $0xFFFFFF80  }
0x7b: {  	[bflag:$0x0] =	sbarrier.arrive $0xFFFF  }
0x7c: {  	[hbm:s10], [sflag:s9] =	dma.local [spmem:s15], $0x50  }
0x7d: {  	s29 =	sadd.s32 $0x1, s29;
	_ =	swait.ge [sflag:s19], $0x50  }
0x7e: {  	p0 =	sne.s32 s29, s14;
	[sflag:s19] =	ssyncset.done $0x0  }
.Ltmp2:
0x7f: {  	[sflag:s19] =	ssyncadd.s32 $0xFFFFFFB0;
	(pc) =	sbr.rel @p0 .LBB2_1-.Ltmp2, $4  }
0x80: {  	[hbm:s13], [sflag:s9] =	dma.local [spmem:s21], $0x50  }
0x81: {  	_ =	swait.ge [sflag:s19], $0x50  }
0x82: {  	[sflag:s19] =	ssyncset.done $0x0  }
0x83: {  	[sflag:s19] =	ssyncadd.s32 $0xFFFFFFB0  }
0x84: {  	_ =	sfence.sel $0x180000  }
0x85: {  	[bflag:$0x0] =	sbarrier.arrive $0xFFFF  }
0x86: {  	_ =	strace $0x9000004D  }
0x87: {  	s0 =	stileid.u32;
	[bflag:$0x2] =	sbarrier.arrive $0xFFFF  }
0x88: {  	p0 =	sne.s32 s0, $0x0;
	s0 =	rddreg [dreg:$0x4]  }
0x89: {  	s0 =	sadd.s32 @!p0 $0x100000, s0  }
0x8a: {  	[sflag:s0] =	ssyncadd.tile.s32 @!p0 $0x1;
	_ =	shalt  }
.Lfunc_end2:
_tile_overlayer_lowered:
.L_overlay_start_2:
0x8b: {  	(tag) =	ssettag $0x2  }
0x8c: {  	s0 =	rddreg [dreg:$0x0];
	s2 =	stileid.u32  }
0x8d: {  	s1 =	rddreg [dreg:$0x1];
	p0 =	sne.s32 s2, $0x0  }
0x8e: {  	s3 =	rddreg [dreg:$0x2];
	[bflag:$0x3] =	sbarrier.arrive $0xFFFF;
	s2 =	simm.s32 @!p0 $0x1C02  }
0x8f: {  	[timem:s3], [sflag:s2] =	dma.local @!p0 [hbm:s0], s1  }
0x90: {  	s0 =	simm.s32 @!p0 $0x2  }
0x91: {  	_ =	swait.ge @!p0 [sflag:s0], s1  }
0x92: {  	s1 =	ssub.s32 @!p0 $0x0, s1;
	[sflag:s0] =	ssyncset.done @!p0 $0x0  }
0x93: {  	[sflag:s0] =	ssyncadd.s32 @!p0 s1  }
0x94: {  	[bflag:$0x3] =	sbarrier.arrive $0xFFFF  }
0x95: {  	_ =	shalt  }

// kernel: kernel.8.cloned.1.call-start
scs
__scs_entry_jumppad:
0x0: {  	(pc) =	sbr.rel $0x88, $3  }
0x1: {  	(tag) =	ssettag $0x0;
	lr =	simm.s32 $0x1  }
0x2: {  	[smem:$0x3F91] =	sst lr;
	_ =	strace $0xD0000000  }
0x3: {  	_ = 	snop  }
0x4: {  	_ = 	snop  }
0x5: {  	_ = 	snop  }
0x6: {  	_ = 	snop  }
0x7: {  	_ = 	snop  }
__scs_overlays_trampoline_lowered:
0x8: {  	[smem:$0x3FA0] =	sst s0  }
0x9: {  	[smem:$0x3FA1] =	sst s1  }
0xa: {  	[smem:$0x3FA2] =	sst s2  }
0xb: {  	[smem:$0x3FA3] =	sst s3  }
0xc: {  	[smem:$0x3FA4] =	sst s4  }
0xd: {  	[smem:$0x3FA5] =	sst s5  }
0xe: {  	[smem:$0x3FA6] =	sst s6  }
0xf: {  	[smem:$0x3FA7] =	sst s7  }
0x10: {  	[smem:$0x3FA8] =	sst s8  }
0x11: {  	[smem:$0x3FA9] =	sst s9;
	s0 =	simm.s32 @!p0 $0x0  }
0x12: {  	s1 =	sld [smem:$0x3F8F];
	s0 =	simm.s32 @p0 $0x1  }
0x13: {  	[smem:$0x3FAA] =	sst s0;
	s0 =	simm.s32 @!p1 $0x0  }
0x14: {  	s2 =	sld [smem:$0x3F8E];
	s0 =	simm.s32 @p1 $0x1  }
0x15: {  	[smem:$0x3FAB] =	sst s0;
	s0 =	simm.s32 @!p2 $0x0  }
0x16: {  	s3 =	sld [smem:$0x3FDB];
	s0 =	simm.s32 @p2 $0x1  }
0x17: {  	s4 =	simm.s32 $0x1BF5;
	[smem:$0x3FAD] =	sst s0  }
0x18: {  	s0 =	sld [smem:$0x3F90];
	_ =	swait.ge [sflag:s4], $0x0  }
0x19: {  	s7 =	sld [smem:$0x3F91]  }
0x1a: {  	s8 =	sadd.s32 $0xFFFFE003, lr  }
0x1b: {  	s9 =	sadd.s32 $0xFFFFFEF7, lr;
	s5 =	simm.s32 $0xFFFFFFFF;
	p2 =	slt.u32 s8, $0xFFFFF086  }
0x1c: {  	p1 =	slt.u32 s9, $0xF7A;
	s5 =	simm.s32 @!p2 $0x0  }
0x1d: {  	s5 =	simm.s32 @p1 $0x1;
	p0 =	seq.s32 s7, s2  }
0x1e: {  	s7 =	smul.u32 @!p0 $0xF7A, s2;
	p2 =	seq.s32 @!p0 s5, $0x0  }
0x1f: {  	s9 =	smul.u32 $0xF7A, s1;
	s8 =	simm.s32 @!p0 $0x1BF5;
	p2 =	por !p2, p0  }
0x20: {  	[sflag:s8] =	ssyncset.s32 @!p0 $0xFFFFF086;
	s6 =	sadd.s32 @!p0 s3, s7;
	s7 =	simm.s32 @!p0 $0x108  }
0x21: {  	s3 =	sadd.s32 s3, s9;
	s6 =	sadd.s32 @!p0 $0x88, s6;
	s7 =	simm.s32 @p2 $0x1082  }
0x22: {  	[simem:s7], [sflag:s8] =	dma.local @!p0 [hbm:s6], $0xF7A  }
0x23: {  	s9 =	sor.u32 $0xD0000000, s2;
	s6 =	simm.s32 $0x108;
	_ =	swait.ge @!p0 [sflag:s8], $0x0  }
0x24: {  	s3 =	sadd.s32 $0x88, s3;
	s6 =	simm.s32 @!p1 $0x1082;
	[sflag:s4] =	ssyncset.s32 $0xFFFFF086  }
0x25: {  	[simem:s6], [sflag:s4] =	dma.local [hbm:s3], $0xF7A  }
0x26: {  	[smem:$0x3F91] =	sst s1;
	(tag) =	ssettag s2;
	_ =	strace s9  }
0x27: {  	s1 =	sld [smem:$0x3FA1]  }
0x28: {  	s2 =	sld [smem:$0x3FA2]  }
0x29: {  	s4 =	sld [smem:$0x3FA4]  }
0x2a: {  	p0 =	seq.s32 s5, $0x0;
	s5 =	sld [smem:$0x3FA5]  }
0x2b: {  	s6 =	sld [smem:$0x3FA6]  }
0x2c: {  	s7 =	sld [smem:$0x3FA7]  }
0x2d: {  	s3 =	simm.s32 $0x108;
	s8 =	sld [smem:$0x3FA8]  }
0x2e: {  	s3 =	simm.s32 @!p0 $0x1082;
	s9 =	sld [smem:$0x3FA9]  }
0x2f: {  	lr =	sadd.s32 s0, s3;
	s0 =	sld [smem:$0x3FA0]  }
0x30: {  	s3 =	sld [smem:$0x3FA3]  }
0x31: {  	[smem:$0x3FAC] =	sst s10  }
0x32: {  	s10 =	sld [smem:$0x3FAA];
	_ =	sdelay $0x3  }
0x33: {  	p0 =	seq.s32 s10, $0x1;
	s10 =	sld [smem:$0x3FAC];
	_ =	sdelay $0x3  }
0x34: {  	[smem:$0x3FAC] =	sst s10  }
0x35: {  	s10 =	sld [smem:$0x3FAB];
	_ =	sdelay $0x3  }
0x36: {  	p1 =	seq.s32 s10, $0x1;
	s10 =	sld [smem:$0x3FAC];
	_ =	sdelay $0x3  }
0x37: {  	[smem:$0x3FAC] =	sst s10  }
0x38: {  	s10 =	sld [smem:$0x3FAD]  }
0x39: {  	_ = 	snop;
	(pc) =	sbr.ind lr, $3  }
0x3a: {  	_ = 	snop  }
0x3b: {  	_ = 	snop  }
0x3c: {  	p2 =	seq.s32 s10, $0x1;
	s10 =	sld [smem:$0x3FAC]  }
0x3d: {  	_ =	shalt  }
0x3e: {  	_ =	shalt  }
0x3f: {  	_ =	shalt  }
0x40: {  	_ =	shalt  }
0x41: {  	_ =	shalt  }
0x42: {  	_ =	shalt  }
0x43: {  	_ =	shalt  }
0x44: {  	_ =	shalt  }
0x45: {  	_ =	shalt  }
0x46: {  	_ =	shalt  }
0x47: {  	_ =	shalt  }
0x48: {  	_ =	shalt  }
0x49: {  	_ =	shalt  }
0x4a: {  	_ =	shalt  }
0x4b: {  	_ =	shalt  }
0x4c: {  	_ =	shalt  }
0x4d: {  	_ =	shalt  }
0x4e: {  	_ =	shalt  }
0x4f: {  	_ =	shalt  }
0x50: {  	_ =	shalt  }
0x51: {  	_ =	shalt  }
0x52: {  	_ =	shalt  }
0x53: {  	_ =	shalt  }
0x54: {  	_ =	shalt  }
0x55: {  	_ =	shalt  }
0x56: {  	_ =	shalt  }
0x57: {  	_ =	shalt  }
0x58: {  	_ =	shalt  }
0x59: {  	_ =	shalt  }
0x5a: {  	_ =	shalt  }
0x5b: {  	_ =	shalt  }
0x5c: {  	_ =	shalt  }
0x5d: {  	_ =	shalt  }
0x5e: {  	_ =	shalt  }
0x5f: {  	_ =	shalt  }
0x60: {  	_ =	shalt  }
0x61: {  	_ =	shalt  }
0x62: {  	_ =	shalt  }
0x63: {  	_ =	shalt  }
0x64: {  	_ =	shalt  }
0x65: {  	_ =	shalt  }
0x66: {  	_ =	shalt  }
0x67: {  	_ =	shalt  }
0x68: {  	_ =	shalt  }
0x69: {  	_ =	shalt  }
0x6a: {  	_ =	shalt  }
0x6b: {  	_ =	shalt  }
0x6c: {  	_ =	shalt  }
0x6d: {  	_ =	shalt  }
0x6e: {  	_ =	shalt  }
0x6f: {  	_ =	shalt  }
0x70: {  	_ =	shalt  }
0x71: {  	_ =	shalt  }
0x72: {  	_ =	shalt  }
0x73: {  	_ =	shalt  }
0x74: {  	_ =	shalt  }
0x75: {  	_ =	shalt  }
0x76: {  	_ =	shalt  }
0x77: {  	_ =	shalt  }
0x78: {  	_ =	shalt  }
0x79: {  	_ =	shalt  }
0x7a: {  	_ =	shalt  }
0x7b: {  	_ =	shalt  }
0x7c: {  	_ =	shalt  }
0x7d: {  	_ =	shalt  }
0x7e: {  	_ =	shalt  }
0x7f: {  	_ =	shalt  }
0x80: {  	_ =	shalt  }
0x81: {  	_ =	shalt  }
0x82: {  	_ =	shalt  }
0x83: {  	_ =	shalt  }
0x84: {  	_ =	shalt  }
0x85: {  	_ =	shalt  }
0x86: {  	_ =	shalt  }
0x87: {  	_ =	shalt  }
.Lfunc_end0:
.L_simem_size_0:
called_computation_lowered:
.L_overlay_start_0:
0x88: {  	s2 =	sld [smem:$0x3FD9]  }
0x89: {  	s3 =	sld [smem:$0x3FFE];
	_ =	sdelay $0x1  }
0x8a: {  	s1 =	srdreg.scid  }
0x8b: {  	s0 =	sand.u32 $0x1, s1  }
0x8c: {  	s14 =	sshll.u32 s0, $0xA;
	s2 =	sadd.s32 s3, s2  }
0x8d: {  	s2 =	sadd.s32 s2, s14  }
0x8e: {  	[smem:$0x3FB8] =	sst s2  }
0x8f: {  	_ = 	snop  }
0x90: {  	s2 =	sld [smem:$0x3FD0];
	_ =	sdelay $0x2  }
0x91: {  	s15 =	simm.s32 $0xA;
	s4 =	simm.s32 $0x10  }
0x92: {  	[smem:s4], [sflag:s15] =	dma.local [hbm:s2], $0x1  }
0x93: {  	_ =	swait.eq [sflag:s15], $0x1  }
0x94: {  	[sflag:s15] =	ssyncset.done $0x0  }
0x95: {  	s16 =	sld [smem:$0x10];
	[sflag:s15] =	ssyncadd.s32 $0xFFFFFFFF  }
0x96: {  	s17 =	sld [smem:$0x11];
	(tm) =	ssettm $0x1  }
0x97: {  	s18 =	sld [smem:$0x3FFB];
	_ =	sdelay $0x3  }
0x98: {  	_ =	strace s18  }
0x99: {  	s4 =	sld [smem:$0x3FFC];
	_ =	sdelay $0x3  }
0x9a: {  	_ =	strace s4  }
0x9b: {  	s4 =	sld [smem:$0x3FFD];
	_ =	sdelay $0x3  }
0x9c: {  	_ =	strace s4  }
0x9d: {  	_ =	strace $0x8FFFFFFF  }
0x9e: {  	s19 =	sld [smem:$0x3FDB];
	_ =	sdelay $0x1  }
0x9f: {  	s5 =	simm.s32 $_scs_section_size  }
0xa0: {  	s6 =	simm.s32 $_size__tile_overlayer_lowered;
	s7 =	simm.s32 $_tile_overlayer_lowered  }
0xa1: {  	s22 =	simm.s32 $0x1BFF;
	s21 =	sshll.u32 s7, $0x1;
	s4 =	sadd.s32 s5, s19  }
0xa2: {  	s8 =	simm.s32 $0x0;
	s20 =	sshll.u32 s6, $0x1;
	s6 =	sadd.s32 s21, s4  }
0xa3: {  	[timem:s8], [sflag:s22] =	dma.local [hbm:s6], s20  }
0xa4: {  	_ =	swait.ge [sflag:s22], s20  }
0xa5: {  	s5 =	ssub.s32 $0x0, s20;
	[sflag:s22] =	ssyncset.done $0x0  }
0xa6: {  	[sflag:s22] =	ssyncadd.s32 s5;
	_ =	sdelay $0x1  }
0xa7: {  	s23 =	simm.s32 $0x1B8B  }
0xa8: {  	_ =	swait.ge [sflag:s23], $0x1  }
0xa9: {  	[sflag:s23] =	ssyncset.done $0x0  }
0xaa: {  	s25 =	simm.s32 $0x1B8E;
	s24 =	sld [smem:$0x3FFE];
	[sflag:s23] =	ssyncadd.s32 $0xFFFFFFFF  }
0xab: {  	s26 =	simm.s32 $execute0_lowered;
	[smem:$0x3FD2] =	sst s25  }
0xac: {  	s6 =	sshll.u32 s26, $0x1;
	_ =	strace $0x80000046;
	[dreg:$0x1] =	wrdreg $0xFFFFFFFF  }
0xad: {  	s28 =	simm.s32 $_size_execute0_lowered;
	s4 =	sadd.s32 s4, s6;
	[dreg:$0x0] =	wrdreg $0x0  }
0xae: {  	s6 =	sshll.u32 s28, $0x1;
	[dreg:$0x2] =	wrdreg s4  }
0xaf: {  	[dreg:$0x3] =	wrdreg s6  }
0xb0: {  	[dreg:$0x4] =	wrdreg $0xC0  }
0xb1: {  	_ =	task [dreg:s8], $0x5FFFF  }
0xb2: {  	[dreg:$0x1] =	wrdreg $0xFFFFFFFF  }
0xb3: {  	[dreg:$0x0] =	wrdreg $0x60  }
0xb4: {  	[dreg:$0x2] =	wrdreg s24  }
0xb5: {  	[dreg:$0x3] =	wrdreg s17  }
0xb6: {  	[dreg:$0x4] =	wrdreg s16  }
0xb7: {  	[dreg:$0x5] =	wrdreg $0x28800  }
0xb8: {  	[dreg:$0x6] =	wrdreg $0x9  }
0xb9: {  	_ =	task.clear_ibuf [dreg:s8], $0x7FFFF;
	_ =	strace $0x90000046  }
0xba: {  	s29 =	simm.s32 $0x9;
	_ =	strace $0x80000048  }
0xbb: {  	_ =	swait.ge [sflag:s29], $0x1  }
0xbc: {  	[sflag:s29] =	ssyncadd.s32 $0xFFFFFFFF  }
0xbd: {  	_ =	strace $0x90000048  }
0xbe: {  	_ =	sfence  }
0xbf: {  	s30 =	sld [smem:$0x0];
	_ =	sdelay $0x2  }
0xc0: {  	s31 =	sshll.u32 s1, $0xD;
	s1 =	sshrl.u32 s1, $0x2  }
0xc1: {  	s3 =	sand.u32 $0x4000, s31;
	s1 =	sadd.s32 s1, s30  }
0xc2: {  	s0 =	sor.u32 s3, s0;
	s1 =	sshll.u32 s1, $0x11  }
0xc3: {  	s0 =	sor.u32 s1, s0  }
0xc4: {  	s0 =	sadd.s32 $0x8F2B, s0  }
0xc5: {  	[sflag:s0] =	ssyncadd.remote.s32 $0x1  }
0xc6: {  	_ =	sfence.sel $0xFFFF  }
0xc7: {  	[dreg:$0x0] =	wrdreg $0xFFFFFFFF;
	(pc) =	sbr.abs _section_cstart, $3  }
0xc8: {  	[dreg:$0x1] =	wrdreg $0xFFFFFFFF  }
0xc9: {  	_ =	task.clear_ibuf [dreg:s8], $0x2FFFF;
	_ =	strace $0x9FFFFFFF  }
0xca: {  	(tm) =	ssettm $0x7FFFFFFF  }
0xcb: {  	_ =	shalt  }
tec
execute0_lowered:
.L_overlay_start_1:
0x0: {  	(tag) =	ssettag $0x1  }
0x1: {  	s5 =	rddreg [dreg:$0x0]  }
0x2: {  	s1 =	rddreg [dreg:$0x1]  }
0x3: {  	s8 =	rddreg [dreg:$0x2]  }
0x4: {  	s0 =	srdreg.scid;
	s3 =	rddreg [dreg:$0x3]  }
0x5: {  	s4 =	simm.s32 $0x0;
	s14 =	simm.s32 $0x1;
	s15 =	simm.s32 $0x0  }
0x6: {  	s6 =	sand.u32 $0x1, s0;
	s0 =	stileid.u32;
	[smem:$0x7FF] =	sst s4  }
0x7: {  	s2 =	sshll.u32 s6, $0x4;
	s9 =	smul.u32 $0x280, s0;
	s10 =	ssub.s32 $0x2, s6  }
0x8: {  	s6 =	smul.u32 $0x2800, s6;
	s30 =	sshll.u32 s0, $0x6;
	s7 =	sor.u32 s0, s2  }
0x9: {  	s2 =	rddreg [dreg:$0x4];
	_ =	strace $0x80000047;
	s11 =	sshrl.u32 s10, $0x1  }
0xa: {  	s7 =	smul.u32 $0x500, s7;
	s10 =	ssub.s32 s10, s11;
	s12 =	sadd.s32 s9, s6  }
0xb: {  	s13 =	sadd.s32 s9, s3;
	s6 =	sor.u32 $0x1C02, s30;
	s11 =	simm.s32 $0x2  }
0xc: {  	s31 =	sshrl.u32 s12, $0x3;
	s9 =	smax.u32 s10, $0x1;
	s10 =	sshrl.u32 s13, $0x3  }
0xd: {  	s12 =	simm.s32 $0x2800;
	s13 =	simm.s32 $0x80;
	s7 =	sadd.s32 s7, s5  }
0xe: {  	s5 =	sadd.s32 $0xC600, s5;
	s8 =	sadd.s32 s8, s31;
	s7 =	sadd.s32 $0x2600, s7  }
.LBB2_1:
0xf: {  	[spmem:s10], [sflag:s6] =	dma.local [hbm:s1], $0x50  }
0x10: {  	_ =	swait.ge [sflag:s11], $0x50  }
0x11: {  	[sflag:s11] =	ssyncset.done $0x0  }
0x12: {  	[sflag:s11] =	ssyncadd.s32 $0xFFFFFFB0  }
0x13: {  	[tilespmem:s4], [sflag:$0x2] =	stream.linear.gather [hbm4b:s7+s4], $0x2800, $0x38;
	[tilespmem:$0x2B00] =	vst v63  }
0x14: {  	_ =	swait.ge [sflag:s11], $0x2800  }
0x15: {  	[sflag:s11] =	ssyncset.done $0x0  }
0x16: {  	[sflag:s11] =	ssyncadd.s32 $0xFFFFD800  }
0x17: {  	[tilespmem:s12], [sflag:$0x2] =	stream.linear.gather [hbm4b:s5+s4], $0x80, $0x38;
	[tilespmem:$0x2B00] =	vst v63  }
0x18: {  	_ =	swait.ge [sflag:s11], $0x80  }
0x19: {  	[sflag:s11] =	ssyncset.done $0x0  }
0x1a: {  	[sflag:s11] =	ssyncadd.s32 $0xFFFFFF80  }
0x1b: {  	s16 =	simm.s32 $0x0;
	[bflag:$0x0] =	sbarrier.arrive $0xFFFF  }
0x1c: {  	[spmem:s3] =	stream.indirect.scatter.add.f32 [tilespmem:s12], [sflag:$0x1], $0x1, s16, s13, $0xb8;
	[tilespmem:$0x2B00] =	vst v63  }
0x1d: {  	s31 =	simm.s32 $0x80  }
0x1e: {  	[spmem:s3] =	stream.indirect.scatter.add.f32 [tilespmem:s12], [sflag:$0x1], $0x1, s31, s13, $0xb8;
	[tilespmem:$0x2B00] =	vst v63  }
0x1f: {  	s17 =	simm.s32 $0x100  }
0x20: {  	[spmem:s3] =	stream.indirect.scatter.add.f32 [tilespmem:s12], [sflag:$0x1], $0x1, s17, s13, $0xb8;
	[tilespmem:$0x2B00] =	vst v63  }
0x21: {  	s18 =	simm.s32 $0x180  }
0x22: {  	[spmem:s3] =	stream.indirect.scatter.add.f32 [tilespmem:s12], [sflag:$0x1], $0x1, s18, s13, $0xb8;
	[tilespmem:$0x2B00] =	vst v63  }
0x23: {  	s19 =	simm.s32 $0x200  }
0x24: {  	[spmem:s3] =	stream.indirect.scatter.add.f32 [tilespmem:s12], [sflag:$0x1], $0x1, s19, s13, $0xb8;
	[tilespmem:$0x2B00] =	vst v63  }
0x25: {  	s20 =	simm.s32 $0x280  }
0x26: {  	[spmem:s3] =	stream.indirect.scatter.add.f32 [tilespmem:s12], [sflag:$0x1], $0x1, s20, s13, $0xb8;
	[tilespmem:$0x2B00] =	vst v63  }
0x27: {  	s21 =	simm.s32 $0x300  }
0x28: {  	[spmem:s3] =	stream.indirect.scatter.add.f32 [tilespmem:s12], [sflag:$0x1], $0x1, s21, s13, $0xb8;
	[tilespmem:$0x2B00] =	vst v63  }
0x29: {  	s22 =	simm.s32 $0x380  }
0x2a: {  	[spmem:s3] =	stream.indirect.scatter.add.f32 [tilespmem:s12], [sflag:$0x1], $0x1, s22, s13, $0xb8;
	[tilespmem:$0x2B00] =	vst v63  }
0x2b: {  	s23 =	simm.s32 $0x400  }
0x2c: {  	[spmem:s3] =	stream.indirect.scatter.add.f32 [tilespmem:s12], [sflag:$0x1], $0x1, s23, s13, $0xb8;
	[tilespmem:$0x2B00] =	vst v63  }
0x2d: {  	s24 =	simm.s32 $0x480  }
0x2e: {  	[spmem:s3] =	stream.indirect.scatter.add.f32 [tilespmem:s12], [sflag:$0x1], $0x1, s24, s13, $0xb8;
	[tilespmem:$0x2B00] =	vst v63  }
0x2f: {  	s25 =	simm.s32 $0x500  }
0x30: {  	[spmem:s3] =	stream.indirect.scatter.add.f32 [tilespmem:s12], [sflag:$0x1], $0x1, s25, s13, $0xb8;
	[tilespmem:$0x2B00] =	vst v63  }
0x31: {  	s26 =	simm.s32 $0x580  }
0x32: {  	[spmem:s3] =	stream.indirect.scatter.add.f32 [tilespmem:s12], [sflag:$0x1], $0x1, s26, s13, $0xb8;
	[tilespmem:$0x2B00] =	vst v63  }
0x33: {  	s28 =	simm.s32 $0x600  }
0x34: {  	[spmem:s3] =	stream.indirect.scatter.add.f32 [tilespmem:s12], [sflag:$0x1], $0x1, s28, s13, $0xb8;
	[tilespmem:$0x2B00] =	vst v63  }
0x35: {  	s29 =	simm.s32 $0x680  }
0x36: {  	[spmem:s3] =	stream.indirect.scatter.add.f32 [tilespmem:s12], [sflag:$0x1], $0x1, s29, s13, $0xb8;
	[tilespmem:$0x2B00] =	vst v63  }
0x37: {  	s30 =	simm.s32 $0x700  }
0x38: {  	[spmem:s3] =	stream.indirect.scatter.add.f32 [tilespmem:s12], [sflag:$0x1], $0x1, s30, s13, $0xb8;
	[tilespmem:$0x2B00] =	vst v63  }
0x39: {  	s31 =	simm.s32 $0x780  }
0x3a: {  	[spmem:s3] =	stream.indirect.scatter.add.f32 [tilespmem:s12], [sflag:$0x1], $0x1, s31, s13, $0xb8;
	[tilespmem:$0x2B00] =	vst v63  }
0x3b: {  	_ =	swait.ge [sflag:s14], $0x80  }
0x3c: {  	[sflag:s14] =	ssyncset.done $0x0  }
0x3d: {  	[sflag:s14] =	ssyncadd.s32 $0xFFFFFF80  }
0x3e: {  	_ =	swait.ge [sflag:s14], $0x80  }
0x3f: {  	[sflag:s14] =	ssyncset.done $0x0  }
0x40: {  	[sflag:s14] =	ssyncadd.s32 $0xFFFFFF80  }
0x41: {  	_ =	swait.ge [sflag:s14], $0x80  }
0x42: {  	[sflag:s14] =	ssyncset.done $0x0  }
0x43: {  	[sflag:s14] =	ssyncadd.s32 $0xFFFFFF80  }
0x44: {  	_ =	swait.ge [sflag:s14], $0x80  }
0x45: {  	[sflag:s14] =	ssyncset.done $0x0  }
0x46: {  	[sflag:s14] =	ssyncadd.s32 $0xFFFFFF80  }
0x47: {  	_ =	swait.ge [sflag:s14], $0x80  }
0x48: {  	[sflag:s14] =	ssyncset.done $0x0  }
0x49: {  	[sflag:s14] =	ssyncadd.s32 $0xFFFFFF80  }
0x4a: {  	_ =	swait.ge [sflag:s14], $0x80  }
0x4b: {  	[sflag:s14] =	ssyncset.done $0x0  }
0x4c: {  	[sflag:s14] =	ssyncadd.s32 $0xFFFFFF80  }
0x4d: {  	_ =	swait.ge [sflag:s14], $0x80  }
0x4e: {  	[sflag:s14] =	ssyncset.done $0x0  }
0x4f: {  	[sflag:s14] =	ssyncadd.s32 $0xFFFFFF80  }
0x50: {  	_ =	swait.ge [sflag:s14], $0x80  }
0x51: {  	[sflag:s14] =	ssyncset.done $0x0  }
0x52: {  	[sflag:s14] =	ssyncadd.s32 $0xFFFFFF80  }
0x53: {  	_ =	swait.ge [sflag:s14], $0x80  }
0x54: {  	[sflag:s14] =	ssyncset.done $0x0  }
0x55: {  	[sflag:s14] =	ssyncadd.s32 $0xFFFFFF80  }
0x56: {  	_ =	swait.ge [sflag:s14], $0x80  }
0x57: {  	[sflag:s14] =	ssyncset.done $0x0  }
0x58: {  	[sflag:s14] =	ssyncadd.s32 $0xFFFFFF80  }
0x59: {  	_ =	swait.ge [sflag:s14], $0x80  }
0x5a: {  	[sflag:s14] =	ssyncset.done $0x0  }
0x5b: {  	[sflag:s14] =	ssyncadd.s32 $0xFFFFFF80  }
0x5c: {  	_ =	swait.ge [sflag:s14], $0x80  }
0x5d: {  	[sflag:s14] =	ssyncset.done $0x0  }
0x5e: {  	[sflag:s14] =	ssyncadd.s32 $0xFFFFFF80  }
0x5f: {  	_ =	swait.ge [sflag:s14], $0x80  }
0x60: {  	[sflag:s14] =	ssyncset.done $0x0  }
0x61: {  	[sflag:s14] =	ssyncadd.s32 $0xFFFFFF80  }
0x62: {  	_ =	swait.ge [sflag:s14], $0x80  }
0x63: {  	[sflag:s14] =	ssyncset.done $0x0  }
0x64: {  	[sflag:s14] =	ssyncadd.s32 $0xFFFFFF80  }
0x65: {  	_ =	swait.ge [sflag:s14], $0x80  }
0x66: {  	[sflag:s14] =	ssyncset.done $0x0  }
0x67: {  	[sflag:s14] =	ssyncadd.s32 $0xFFFFFF80  }
0x68: {  	_ =	swait.ge [sflag:s14], $0x80  }
0x69: {  	s16 =	simm.s32 $0x2000;
	s19 =	simm.s32 $0x4000;
	[sflag:s14] =	ssyncset.done $0x0  }
.LBB2_2:
0x6a: {  	s18 =	sshra.s32 s16, $0x2  }
0x6b: {  	[sflag:s14] =	ssyncadd.s32 $0xFFFFFF80;
	s16 =	smov.u32 s19;
	s17 =	sadd.s32 $0x2000, s19  }
0x6c: {  	[spmem:s3] =	stream.indirect.scatter.add.f32 [tilespmem:s12], [sflag:$0x1], $0x1, s18, s13, $0xb8;
	[tilespmem:$0x2B00] =	vst v63  }
0x6d: {  	p0 =	sne.s32 s19, $0x8000;
	s19 =	sadd.s32 $0x80, s18  }
0x6e: {  	[spmem:s3] =	stream.indirect.scatter.add.f32 [tilespmem:s12], [sflag:$0x1], $0x1, s19, s13, $0xb8;
	[tilespmem:$0x2B00] =	vst v63  }
0x6f: {  	s19 =	sadd.s32 $0x100, s18  }
0x70: {  	[spmem:s3] =	stream.indirect.scatter.add.f32 [tilespmem:s12], [sflag:$0x1], $0x1, s19, s13, $0xb8;
	[tilespmem:$0x2B00] =	vst v63  }
0x71: {  	s19 =	sadd.s32 $0x180, s18  }
0x72: {  	[spmem:s3] =	stream.indirect.scatter.add.f32 [tilespmem:s12], [sflag:$0x1], $0x1, s19, s13, $0xb8;
	[tilespmem:$0x2B00] =	vst v63  }
0x73: {  	s19 =	sadd.s32 $0x200, s18  }
0x74: {  	[spmem:s3] =	stream.indirect.scatter.add.f32 [tilespmem:s12], [sflag:$0x1], $0x1, s19, s13, $0xb8;
	[tilespmem:$0x2B00] =	vst v63  }
0x75: {  	s19 =	sadd.s32 $0x280, s18  }
0x76: {  	[spmem:s3] =	stream.indirect.scatter.add.f32 [tilespmem:s12], [sflag:$0x1], $0x1, s19, s13, $0xb8;
	[tilespmem:$0x2B00] =	vst v63  }
0x77: {  	s19 =	sadd.s32 $0x300, s18  }
0x78: {  	[spmem:s3] =	stream.indirect.scatter.add.f32 [tilespmem:s12], [sflag:$0x1], $0x1, s19, s13, $0xb8;
	[tilespmem:$0x2B00] =	vst v63  }
0x79: {  	s19 =	sadd.s32 $0x380, s18  }
0x7a: {  	[spmem:s3] =	stream.indirect.scatter.add.f32 [tilespmem:s12], [sflag:$0x1], $0x1, s19, s13, $0xb8;
	[tilespmem:$0x2B00] =	vst v63  }
0x7b: {  	s19 =	sadd.s32 $0x400, s18  }
0x7c: {  	[spmem:s3] =	stream.indirect.scatter.add.f32 [tilespmem:s12], [sflag:$0x1], $0x1, s19, s13, $0xb8;
	[tilespmem:$0x2B00] =	vst v63  }
0x7d: {  	s19 =	sadd.s32 $0x480, s18  }
0x7e: {  	[spmem:s3] =	stream.indirect.scatter.add.f32 [tilespmem:s12], [sflag:$0x1], $0x1, s19, s13, $0xb8;
	[tilespmem:$0x2B00] =	vst v63  }
0x7f: {  	s19 =	sadd.s32 $0x500, s18  }
0x80: {  	[spmem:s3] =	stream.indirect.scatter.add.f32 [tilespmem:s12], [sflag:$0x1], $0x1, s19, s13, $0xb8;
	[tilespmem:$0x2B00] =	vst v63  }
0x81: {  	s19 =	sadd.s32 $0x580, s18  }
0x82: {  	[spmem:s3] =	stream.indirect.scatter.add.f32 [tilespmem:s12], [sflag:$0x1], $0x1, s19, s13, $0xb8;
	[tilespmem:$0x2B00] =	vst v63  }
0x83: {  	s19 =	sadd.s32 $0x600, s18  }
0x84: {  	[spmem:s3] =	stream.indirect.scatter.add.f32 [tilespmem:s12], [sflag:$0x1], $0x1, s19, s13, $0xb8;
	[tilespmem:$0x2B00] =	vst v63  }
0x85: {  	s19 =	sadd.s32 $0x680, s18  }
0x86: {  	[spmem:s3] =	stream.indirect.scatter.add.f32 [tilespmem:s12], [sflag:$0x1], $0x1, s19, s13, $0xb8;
	[tilespmem:$0x2B00] =	vst v63  }
0x87: {  	s19 =	sadd.s32 $0x700, s18  }
0x88: {  	[spmem:s3] =	stream.indirect.scatter.add.f32 [tilespmem:s12], [sflag:$0x1], $0x1, s19, s13, $0xb8;
	[tilespmem:$0x2B00] =	vst v63  }
0x89: {  	s18 =	sadd.s32 $0x780, s18  }
0x8a: {  	[spmem:s3] =	stream.indirect.scatter.add.f32 [tilespmem:s12], [sflag:$0x1], $0x1, s18, s13, $0xb8;
	[tilespmem:$0x2B00] =	vst v63  }
0x8b: {  	_ =	swait.ge [sflag:s14], $0x80  }
0x8c: {  	[sflag:s14] =	ssyncset.done $0x0  }
0x8d: {  	[sflag:s14] =	ssyncadd.s32 $0xFFFFFF80  }
0x8e: {  	_ =	swait.ge [sflag:s14], $0x80  }
0x8f: {  	[sflag:s14] =	ssyncset.done $0x0  }
0x90: {  	[sflag:s14] =	ssyncadd.s32 $0xFFFFFF80  }
0x91: {  	_ =	swait.ge [sflag:s14], $0x80  }
0x92: {  	[sflag:s14] =	ssyncset.done $0x0  }
0x93: {  	[sflag:s14] =	ssyncadd.s32 $0xFFFFFF80  }
0x94: {  	_ =	swait.ge [sflag:s14], $0x80  }
0x95: {  	[sflag:s14] =	ssyncset.done $0x0  }
0x96: {  	[sflag:s14] =	ssyncadd.s32 $0xFFFFFF80  }
0x97: {  	_ =	swait.ge [sflag:s14], $0x80  }
0x98: {  	[sflag:s14] =	ssyncset.done $0x0  }
0x99: {  	[sflag:s14] =	ssyncadd.s32 $0xFFFFFF80  }
0x9a: {  	_ =	swait.ge [sflag:s14], $0x80  }
0x9b: {  	[sflag:s14] =	ssyncset.done $0x0  }
0x9c: {  	[sflag:s14] =	ssyncadd.s32 $0xFFFFFF80  }
0x9d: {  	_ =	swait.ge [sflag:s14], $0x80  }
0x9e: {  	[sflag:s14] =	ssyncset.done $0x0  }
0x9f: {  	[sflag:s14] =	ssyncadd.s32 $0xFFFFFF80  }
0xa0: {  	_ =	swait.ge [sflag:s14], $0x80  }
0xa1: {  	[sflag:s14] =	ssyncset.done $0x0  }
0xa2: {  	[sflag:s14] =	ssyncadd.s32 $0xFFFFFF80  }
0xa3: {  	_ =	swait.ge [sflag:s14], $0x80  }
0xa4: {  	[sflag:s14] =	ssyncset.done $0x0  }
0xa5: {  	[sflag:s14] =	ssyncadd.s32 $0xFFFFFF80  }
0xa6: {  	_ =	swait.ge [sflag:s14], $0x80  }
0xa7: {  	[sflag:s14] =	ssyncset.done $0x0  }
0xa8: {  	[sflag:s14] =	ssyncadd.s32 $0xFFFFFF80  }
0xa9: {  	_ =	swait.ge [sflag:s14], $0x80  }
0xaa: {  	[sflag:s14] =	ssyncset.done $0x0  }
0xab: {  	[sflag:s14] =	ssyncadd.s32 $0xFFFFFF80  }
0xac: {  	_ =	swait.ge [sflag:s14], $0x80  }
0xad: {  	[sflag:s14] =	ssyncset.done $0x0  }
0xae: {  	[sflag:s14] =	ssyncadd.s32 $0xFFFFFF80  }
0xaf: {  	_ =	swait.ge [sflag:s14], $0x80  }
0xb0: {  	[sflag:s14] =	ssyncset.done $0x0  }
0xb1: {  	[sflag:s14] =	ssyncadd.s32 $0xFFFFFF80  }
0xb2: {  	_ =	swait.ge [sflag:s14], $0x80  }
0xb3: {  	[sflag:s14] =	ssyncset.done $0x0  }
0xb4: {  	[sflag:s14] =	ssyncadd.s32 $0xFFFFFF80  }
.Ltmp0:
0xb5: {  	_ =	swait.ge [sflag:s14], $0x80;
	(pc) =	sbr.rel @p0 .LBB2_2-.Ltmp0, $4  }
0xb6: {  	[sflag:s14] =	ssyncset.done $0x0  }
0xb7: {  	[sflag:s14] =	ssyncadd.s32 $0xFFFFFF80  }
0xb8: {  	_ =	swait.ge [sflag:s14], $0x80  }
0xb9: {  	s19 =	smov.u32 s17;
	[sflag:s14] =	ssyncset.done $0x0  }
0xba: {  	s16 =	sshra.s32 s16, $0x2;
	[sflag:s14] =	ssyncadd.s32 $0xFFFFFF80  }
0xbb: {  	[spmem:s3] =	stream.indirect.scatter.add.f32 [tilespmem:s12], [sflag:$0x1], $0x1, s16, s13, $0xb8;
	[tilespmem:$0x2B00] =	vst v63  }
0xbc: {  	s17 =	sadd.s32 $0x80, s16  }
0xbd: {  	[spmem:s3] =	stream.indirect.scatter.add.f32 [tilespmem:s12], [sflag:$0x1], $0x1, s17, s13, $0xb8;
	[tilespmem:$0x2B00] =	vst v63  }
0xbe: {  	s18 =	sadd.s32 $0x100, s16  }
0xbf: {  	[spmem:s3] =	stream.indirect.scatter.add.f32 [tilespmem:s12], [sflag:$0x1], $0x1, s18, s13, $0xb8;
	[tilespmem:$0x2B00] =	vst v63  }
0xc0: {  	s19 =	sadd.s32 $0x180, s16  }
0xc1: {  	[spmem:s3] =	stream.indirect.scatter.add.f32 [tilespmem:s12], [sflag:$0x1], $0x1, s19, s13, $0xb8;
	[tilespmem:$0x2B00] =	vst v63  }
0xc2: {  	s20 =	sadd.s32 $0x200, s16  }
0xc3: {  	[spmem:s3] =	stream.indirect.scatter.add.f32 [tilespmem:s12], [sflag:$0x1], $0x1, s20, s13, $0xb8;
	[tilespmem:$0x2B00] =	vst v63  }
0xc4: {  	s21 =	sadd.s32 $0x280, s16  }
0xc5: {  	[spmem:s3] =	stream.indirect.scatter.add.f32 [tilespmem:s12], [sflag:$0x1], $0x1, s21, s13, $0xb8;
	[tilespmem:$0x2B00] =	vst v63  }
0xc6: {  	s22 =	sadd.s32 $0x300, s16  }
0xc7: {  	[spmem:s3] =	stream.indirect.scatter.add.f32 [tilespmem:s12], [sflag:$0x1], $0x1, s22, s13, $0xb8;
	[tilespmem:$0x2B00] =	vst v63  }
0xc8: {  	s23 =	sadd.s32 $0x380, s16  }
0xc9: {  	[spmem:s3] =	stream.indirect.scatter.add.f32 [tilespmem:s12], [sflag:$0x1], $0x1, s23, s13, $0xb8;
	[tilespmem:$0x2B00] =	vst v63  }
0xca: {  	s24 =	sadd.s32 $0x400, s16  }
0xcb: {  	[spmem:s3] =	stream.indirect.scatter.add.f32 [tilespmem:s12], [sflag:$0x1], $0x1, s24, s13, $0xb8;
	[tilespmem:$0x2B00] =	vst v63  }
0xcc: {  	s25 =	sadd.s32 $0x480, s16  }
0xcd: {  	[spmem:s3] =	stream.indirect.scatter.add.f32 [tilespmem:s12], [sflag:$0x1], $0x1, s25, s13, $0xb8;
	[tilespmem:$0x2B00] =	vst v63  }
0xce: {  	s26 =	sadd.s32 $0x500, s16  }
0xcf: {  	[spmem:s3] =	stream.indirect.scatter.add.f32 [tilespmem:s12], [sflag:$0x1], $0x1, s26, s13, $0xb8;
	[tilespmem:$0x2B00] =	vst v63  }
0xd0: {  	s28 =	sadd.s32 $0x580, s16  }
0xd1: {  	[spmem:s3] =	stream.indirect.scatter.add.f32 [tilespmem:s12], [sflag:$0x1], $0x1, s28, s13, $0xb8;
	[tilespmem:$0x2B00] =	vst v63  }
0xd2: {  	s29 =	sadd.s32 $0x600, s16  }
0xd3: {  	[spmem:s3] =	stream.indirect.scatter.add.f32 [tilespmem:s12], [sflag:$0x1], $0x1, s29, s13, $0xb8;
	[tilespmem:$0x2B00] =	vst v63  }
0xd4: {  	s30 =	sadd.s32 $0x680, s16  }
0xd5: {  	[spmem:s3] =	stream.indirect.scatter.add.f32 [tilespmem:s12], [sflag:$0x1], $0x1, s30, s13, $0xb8;
	[tilespmem:$0x2B00] =	vst v63  }
0xd6: {  	s31 =	sadd.s32 $0x700, s16  }
0xd7: {  	[spmem:s3] =	stream.indirect.scatter.add.f32 [tilespmem:s12], [sflag:$0x1], $0x1, s31, s13, $0xb8;
	[tilespmem:$0x2B00] =	vst v63  }
0xd8: {  	s16 =	sadd.s32 $0x780, s16  }
0xd9: {  	[spmem:s3] =	stream.indirect.scatter.add.f32 [tilespmem:s12], [sflag:$0x1], $0x1, s16, s13, $0xb8;
	[tilespmem:$0x2B00] =	vst v63  }
0xda: {  	_ =	swait.ge [sflag:s14], $0x80  }
0xdb: {  	[sflag:s14] =	ssyncset.done $0x0  }
0xdc: {  	[sflag:s14] =	ssyncadd.s32 $0xFFFFFF80  }
0xdd: {  	_ =	swait.ge [sflag:s14], $0x80  }
0xde: {  	[sflag:s14] =	ssyncset.done $0x0  }
0xdf: {  	[sflag:s14] =	ssyncadd.s32 $0xFFFFFF80  }
0xe0: {  	_ =	swait.ge [sflag:s14], $0x80  }
0xe1: {  	[sflag:s14] =	ssyncset.done $0x0  }
0xe2: {  	[sflag:s14] =	ssyncadd.s32 $0xFFFFFF80  }
0xe3: {  	_ =	swait.ge [sflag:s14], $0x80  }
0xe4: {  	[sflag:s14] =	ssyncset.done $0x0  }
0xe5: {  	[sflag:s14] =	ssyncadd.s32 $0xFFFFFF80  }
0xe6: {  	_ =	swait.ge [sflag:s14], $0x80  }
0xe7: {  	[sflag:s14] =	ssyncset.done $0x0  }
0xe8: {  	[sflag:s14] =	ssyncadd.s32 $0xFFFFFF80  }
0xe9: {  	_ =	swait.ge [sflag:s14], $0x80  }
0xea: {  	[sflag:s14] =	ssyncset.done $0x0  }
0xeb: {  	[sflag:s14] =	ssyncadd.s32 $0xFFFFFF80  }
0xec: {  	_ =	swait.ge [sflag:s14], $0x80  }
0xed: {  	[sflag:s14] =	ssyncset.done $0x0  }
0xee: {  	[sflag:s14] =	ssyncadd.s32 $0xFFFFFF80  }
0xef: {  	_ =	swait.ge [sflag:s14], $0x80  }
0xf0: {  	[sflag:s14] =	ssyncset.done $0x0  }
0xf1: {  	[sflag:s14] =	ssyncadd.s32 $0xFFFFFF80  }
0xf2: {  	_ =	swait.ge [sflag:s14], $0x80  }
0xf3: {  	[sflag:s14] =	ssyncset.done $0x0  }
0xf4: {  	[sflag:s14] =	ssyncadd.s32 $0xFFFFFF80  }
0xf5: {  	_ =	swait.ge [sflag:s14], $0x80  }
0xf6: {  	[sflag:s14] =	ssyncset.done $0x0  }
0xf7: {  	[sflag:s14] =	ssyncadd.s32 $0xFFFFFF80  }
0xf8: {  	_ =	swait.ge [sflag:s14], $0x80  }
0xf9: {  	[sflag:s14] =	ssyncset.done $0x0  }
0xfa: {  	[sflag:s14] =	ssyncadd.s32 $0xFFFFFF80  }
0xfb: {  	_ =	swait.ge [sflag:s14], $0x80  }
0xfc: {  	[sflag:s14] =	ssyncset.done $0x0  }
0xfd: {  	[sflag:s14] =	ssyncadd.s32 $0xFFFFFF80  }
0xfe: {  	_ =	swait.ge [sflag:s14], $0x80  }
0xff: {  	[sflag:s14] =	ssyncset.done $0x0  }
0x100: {  	[sflag:s14] =	ssyncadd.s32 $0xFFFFFF80  }
0x101: {  	_ =	swait.ge [sflag:s14], $0x80  }
0x102: {  	[sflag:s14] =	ssyncset.done $0x0  }
0x103: {  	[sflag:s14] =	ssyncadd.s32 $0xFFFFFF80  }
0x104: {  	_ =	swait.ge [sflag:s14], $0x80  }
0x105: {  	[sflag:s14] =	ssyncset.done $0x0  }
0x106: {  	[sflag:s14] =	ssyncadd.s32 $0xFFFFFF80  }
0x107: {  	_ =	swait.ge [sflag:s14], $0x80  }
0x108: {  	s15 =	sadd.s32 $0x1, s15;
	[sflag:s14] =	ssyncset.done $0x0  }
0x109: {  	p0 =	sne.s32 s15, s9;
	[sflag:s14] =	ssyncadd.s32 $0xFFFFFF80  }
.Ltmp1:
0x10a: {  	[bflag:$0x0] =	sbarrier.arrive $0xFFFF;
	(pc) =	sbr.rel @p0 .LBB2_1-.Ltmp1, $4  }
0x10b: {  	[hbm:s8], [sflag:s6] =	dma.local [spmem:s10], $0x50  }
0x10c: {  	_ =	swait.ge [sflag:s11], $0x50  }
0x10d: {  	[sflag:s11] =	ssyncset.done $0x0  }
0x10e: {  	[sflag:s11] =	ssyncadd.s32 $0xFFFFFFB0  }
0x10f: {  	_ =	sfence.sel $0x180000  }
0x110: {  	[bflag:$0x0] =	sbarrier.arrive $0xFFFF  }
0x111: {  	p0 =	sne.s32 s0, $0x0;
	_ =	strace $0x90000047  }
0x112: {  	s0 =	sadd.s32 @!p0 $0x100000, s2;
	[bflag:$0x2] =	sbarrier.arrive $0xFFFF  }
0x113: {  	[sflag:s0] =	ssyncadd.tile.s32 @!p0 $0x1;
	_ =	shalt  }
.Lfunc_end2:
_tile_overlayer_lowered:
.L_overlay_start_2:
0x114: {  	(tag) =	ssettag $0x2  }
0x115: {  	s0 =	rddreg [dreg:$0x0];
	s2 =	stileid.u32  }
0x116: {  	s1 =	rddreg [dreg:$0x1];
	p0 =	sne.s32 s2, $0x0  }
0x117: {  	s3 =	rddreg [dreg:$0x2];
	[bflag:$0x3] =	sbarrier.arrive $0xFFFF;
	s2 =	simm.s32 @!p0 $0x1C02  }
0x118: {  	[timem:s3], [sflag:s2] =	dma.local @!p0 [hbm:s0], s1  }
0x119: {  	s0 =	simm.s32 @!p0 $0x2  }
0x11a: {  	_ =	swait.ge @!p0 [sflag:s0], s1  }
0x11b: {  	s1 =	ssub.s32 @!p0 $0x0, s1;
	[sflag:s0] =	ssyncset.done @!p0 $0x0  }
0x11c: {  	[sflag:s0] =	ssyncadd.s32 @!p0 s1  }
0x11d: {  	[bflag:$0x3] =	sbarrier.arrive $0xFFFF  }
0x11e: {  	_ =	shalt  }

</sc_bundles>
